<compile_context>
chip_gen: v7x
topology: tpu7x:2x2x1
jax: 0.10.2.dev20260603
libtpu: 0.0.44.dev20260713+nightly
codegen_flags: <defaults>
</compile_context>

<pallas_src>
import functools

import jax
import jax.numpy as jnp
from jax import lax
from jax.experimental import pallas as pl
from jax.experimental.pallas import tpu as pltpu
from jax.experimental.pallas import tpu_sc as plsc

N = 10000
E = 320000
D = 128

NC = 2
NS = 16
NW = NC * NS
K = 128
STEPS = 80
TOT = NW * STEPS
EP = TOT * K
S_A = 120
S_B = 40
PH = 40
NP = 10240
RPS = NP // NS
PPS = RPS // 8


def _deg_body(dst_hbm, ones_hbm, zeros_hbm, out_hbm, idx_v, ones_v, deg_sp, sem):
    cid = lax.axis_index("c")
    sid = lax.axis_index("s")
    g = cid * NS + sid
    pltpu.sync_copy(zeros_hbm.at[pl.ds(sid * RPS, RPS)],
                    deg_sp.at[pl.ds(sid * RPS, RPS)])
    pltpu.sync_copy(ones_hbm, ones_v)
    pltpu.sync_copy(dst_hbm.at[pl.ds(g * STEPS, STEPS)], idx_v)
    plsc.subcore_barrier()

    @pl.loop(0, STEPS)
    def _(j):
        pltpu.sync_copy(ones_v, deg_sp.at[idx_v.at[j]], add=True)

    plsc.subcore_barrier()
    pltpu.sync_copy(deg_sp.at[pl.ds(sid * RPS, RPS)],
                    out_hbm.at[cid, pl.ds(sid * RPS, RPS)])


def _edge_body(hs_hbm, src_hbm, dst_hbm, zeros_hbm, out_hbm,
               sidx_v, didx_v, rows0, rows1, acc_sp, gsem0, gsem1):
    cid = lax.axis_index("c")
    sid = lax.axis_index("s")
    pltpu.sync_copy(zeros_hbm.at[pl.ds(sid * RPS, RPS)],
                    acc_sp.at[pl.ds(sid * RPS, RPS)])
    plsc.subcore_barrier()

    base = jnp.where(cid == 0, sid * S_A, NS * S_A + sid * S_B)
    nph = jnp.where(cid == 0, S_A // PH, S_B // PH)

    @pl.loop(0, nph)
    def _(ph):
        pltpu.sync_copy(src_hbm.at[pl.ds(base + ph * PH, PH)], sidx_v)
        pltpu.sync_copy(dst_hbm.at[pl.ds(base + ph * PH, PH)], didx_v)

        @pl.loop(0, PH, step=2)
        def _(j):
            da = pltpu.async_copy(hs_hbm.at[sidx_v.at[j]], rows0, gsem0)
            db = pltpu.async_copy(hs_hbm.at[sidx_v.at[j + 1]], rows1, gsem1)
            da.wait()
            pltpu.sync_copy(rows0, acc_sp.at[didx_v.at[j]], add=True)
            db.wait()
            pltpu.sync_copy(rows1, acc_sp.at[didx_v.at[j + 1]], add=True)

    plsc.subcore_barrier()
    pltpu.sync_copy(acc_sp.at[pl.ds(sid * RPS, RPS)],
                    out_hbm.at[cid, pl.ds(sid * RPS, RPS)])


@functools.cache
def _sc_kernels():
    mesh = plsc.VectorSubcoreMesh(core_axis_name="c", subcore_axis_name="s",
                                  num_cores=NC, num_subcores=NS)
    deg_kernel = pl.kernel(
        _deg_body,
        out_type=jax.ShapeDtypeStruct((NC, NP, D), jnp.float32),
        mesh=mesh,
        scratch_types=[
            pltpu.VMEM((STEPS, K), jnp.int32),
            pltpu.VMEM((K, D), jnp.float32),
            pltpu.VMEM_SHARED((NP, D), jnp.float32),
            pltpu.SemaphoreType.DMA,
        ],
    )
    edge_kernel = pl.kernel(
        _edge_body,
        out_type=jax.ShapeDtypeStruct((NC, NP, D), jnp.float32),
        mesh=mesh,
        scratch_types=[
            pltpu.VMEM((PH, K), jnp.int32),
            pltpu.VMEM((PH, K), jnp.int32),
            pltpu.VMEM((K, D), jnp.float32),
            pltpu.VMEM((K, D), jnp.float32),
            pltpu.VMEM_SHARED((NP, D), jnp.float32),
            pltpu.SemaphoreType.DMA,
            pltpu.SemaphoreType.DMA,
        ],
    )
    return deg_kernel, edge_kernel


BH = 640


def _hs_body(x_ref, w_ref, d0_ref, d1_ref, hs_ref):
    deg = d0_ref[...] + d1_ref[...] + 1.0
    dinv = lax.rsqrt(deg)
    hs_ref[...] = jnp.dot(x_ref[...], w_ref[...],
                          preferred_element_type=jnp.float32) * dinv


_hs_call = pl.pallas_call(
    _hs_body,
    grid=(NP // BH,),
    in_specs=[
        pl.BlockSpec((BH, D), lambda i: (i, 0)),
        pl.BlockSpec((D, D), lambda i: (0, 0)),
        pl.BlockSpec((BH, 1), lambda i: (i, 0)),
        pl.BlockSpec((BH, 1), lambda i: (i, 0)),
    ],
    out_specs=pl.BlockSpec((BH, D), lambda i: (i, 0)),
    out_shape=jax.ShapeDtypeStruct((NP, D), jnp.float32),
)


def _out_body(acc0_ref, acc1_ref, hs_ref, d0_ref, d1_ref, b_ref, o_ref):
    deg = d0_ref[...] + d1_ref[...] + 1.0
    dinv = lax.rsqrt(deg)
    o_ref[...] = dinv * (acc0_ref[...] + acc1_ref[...] + hs_ref[...]) + b_ref[...]


_out_call = pl.pallas_call(
    _out_body,
    grid=(NP // BH,),
    in_specs=[
        pl.BlockSpec((BH, D), lambda i: (i, 0)),
        pl.BlockSpec((BH, D), lambda i: (i, 0)),
        pl.BlockSpec((BH, D), lambda i: (i, 0)),
        pl.BlockSpec((BH, 1), lambda i: (i, 0)),
        pl.BlockSpec((BH, 1), lambda i: (i, 0)),
        pl.BlockSpec((1, D), lambda i: (0, 0)),
    ],
    out_specs=pl.BlockSpec((BH, D), lambda i: (i, 0)),
    out_shape=jax.ShapeDtypeStruct((NP, D), jnp.float32),
)


def kernel(x, edge_index, W, b):
    src = edge_index[0].astype(jnp.int32)
    dst = edge_index[1].astype(jnp.int32)
    pad = jnp.full((EP - E,), N, jnp.int32)
    src3 = jnp.concatenate([src, pad]).reshape(TOT, K)
    dst3 = jnp.concatenate([dst, pad]).reshape(TOT, K)

    ones128 = jnp.ones((K, D), jnp.float32)
    zerosD = jnp.zeros((NP, D), jnp.float32)

    deg_kernel, edge_kernel = _sc_kernels()
    degp = deg_kernel(dst3, ones128, zerosD)
    d0 = degp[0][:, 0:1]
    d1 = degp[1][:, 0:1]

    x_pad = jnp.concatenate([x, jnp.zeros((NP - N, D), x.dtype)])
    hs = _hs_call(x_pad, W, d0, d1)

    accp = edge_kernel(hs, src3, dst3, zerosD)

    out_pad = _out_call(accp[0], accp[1], hs, d0, d1, b.reshape(1, D))
    return out_pad[:N]

# --- scband reference (transcript-rebuilt; emitter-appended) ---
"""Pipeline reference for scband-general-conv-66614942761467 (READ-ONLY COPY).

The authoritative reference and input builder live on the scoring server;
editing this copy changes nothing except your own understanding.
"""

import jax, jax.numpy as jnp
import numpy as np

N_NODES = 10000
N_EDGES = 320000
D_IN = 128
D_OUT = 128

def setup_inputs(seed: int = 0) -> dict:
    key = jax.random.key(seed)
    k1, k2, k3 = jax.random.split(key, 3)
    x = jax.random.normal(k1, (N_NODES, D_IN), dtype=jnp.float32)
    edge_index = jax.random.randint(k2, (2, N_EDGES), 0, N_NODES, dtype=jnp.int64)
    # GCNConv learned params (glorot weight, zero bias)
    limit = float(np.sqrt(6.0 / (D_IN + D_OUT)))
    W = jax.random.uniform(k3, (D_IN, D_OUT), minval=-limit, maxval=limit, dtype=jnp.float32)
    b = jnp.zeros((D_OUT,), dtype=jnp.float32)
    return {"x": x, "edge_index": edge_index, "W": W, "b": b}

def reference(x, edge_index, W, b):
    # GeneralConv(task='transductive', conv_name='gcn_conv') -> GCNConv(x, edge_index)
    N = x.shape[0]
    src = edge_index[0]
    dst = edge_index[1]
    # add self-loops
    loop = jnp.arange(N, dtype=src.dtype)
    src = jnp.concatenate([src, loop])
    dst = jnp.concatenate([dst, loop])
    # linear transform
    h = x @ W
    # symmetric normalization: deg^{-1/2} A_hat deg^{-1/2}
    ones = jnp.ones(src.shape[0], dtype=h.dtype)
    deg = jax.ops.segment_sum(ones, dst, num_segments=N)
    deg_inv_sqrt = jnp.where(deg > 0, jax.lax.rsqrt(jnp.maximum(deg, 1e-12)), 0.0)
    norm = deg_inv_sqrt[src] * deg_inv_sqrt[dst]
    # message passing: gather, scale, scatter-add
    msg = h[src] * norm[:, None]
    out = jax.ops.segment_sum(msg, dst, num_segments=N)
    return out + b

if __name__ == "__main__":
    import jax
    _d = setup_inputs()
    print(jax.jit(kernel)(*tuple(_d.values())))

</pallas_src>

<mosaic_0001>
#map = affine_map<(d0, d1) -> (0, 0)>
#map1 = affine_map<(d0, d1) -> (0, 0, 0)>
module attributes {stable_mosaic.version = 14 : i64} {
  func.func @_deg_body(%arg0: i32, %arg1: i32, %arg2: memref<2560x128xi32, #tpu.memory_space<hbm>>, %arg3: memref<128x128xf32, #tpu.memory_space<hbm>>, %arg4: memref<10240x128xf32, #tpu.memory_space<hbm>>, %arg5: memref<2x10240x128xf32, #tpu.memory_space<hbm>>, %arg6: memref<80x128xi32, #tpu.memory_space<vmem>>, %arg7: memref<128x128xf32, #tpu.memory_space<vmem>>, %arg8: memref<10240x128xf32, #tpu.memory_space<vmem_shared>>, %arg9: memref<!tpu.dma_semaphore, #tpu.memory_space<semaphore_mem>>) attributes {dimension_semantics = [#tpu.dimension_semantics<core_parallel>, #tpu.dimension_semantics<subcore_parallel>], iteration_bounds = array<i64: 2, 16>, scalar_prefetch = 0 : i64, scratch_operands = 4 : i64, tpu.core_type = #tpu.core_type<sc_vector_subcore>, window_params = [{transform_indices = #map}, {transform_indices = #map}, {transform_indices = #map}, {transform_indices = #map1}]} {
    %mul3A = arith.constant 16 : i32
    %mul3A_0 = arith.muli %arg0, %mul3A : i32
    %add3A = arith.addi %mul3A_0, %arg1 : i32
    %mul3A_1 = arith.constant 640 : i32
    %mul3A_2 = arith.muli %arg1, %mul3A_1 : i32
    %mul3A_3 = arith.constant 640 : i32
    %mul3A_4 = arith.muli %arg1, %mul3A_3 : i32
    "tpu.region"() ({
      %run_scoped3A = tpu.sem_alloc : memref<!tpu.dma_semaphore, #tpu.memory_space<semaphore_mem>>
      %dma_start3A = arith.constant 0 : i32
      %dma_start3A_16 = tpu.memref_slice %arg8[%mul3A_4, %dma_start3A] : memref<10240x128xf32, #tpu.memory_space<vmem_shared>> -> memref<640x128xf32, #tpu.memory_space<vmem_shared>>
      %dma_start3A_17 = arith.constant 0 : i32
      %dma_start3A_18 = tpu.memref_slice %arg4[%mul3A_2, %dma_start3A_17] : memref<10240x128xf32, #tpu.memory_space<hbm>> -> memref<640x128xf32, #tpu.memory_space<hbm>>
      tpu.enqueue_dma source(%dma_start3A_18 : memref<640x128xf32, #tpu.memory_space<hbm>>) target(%dma_start3A_16 : memref<640x128xf32, #tpu.memory_space<vmem_shared>>) target_semaphore(%run_scoped3A : memref<!tpu.dma_semaphore, #tpu.memory_space<semaphore_mem>>)
      %dma_wait3A = arith.constant 0 : i32
      %dma_wait3A_19 = tpu.memref_slice %arg8[%mul3A_4, %dma_wait3A] : memref<10240x128xf32, #tpu.memory_space<vmem_shared>> -> memref<640x128xf32, #tpu.memory_space<vmem_shared>>
      %dma_wait3A_20 = arith.constant 0 : i32
      %dma_wait3A_21 = tpu.memref_slice %arg4[%mul3A_2, %dma_wait3A_20] : memref<10240x128xf32, #tpu.memory_space<hbm>> -> memref<640x128xf32, #tpu.memory_space<hbm>>
      tpu.wait_dma2 semaphore(%run_scoped3A : memref<!tpu.dma_semaphore, #tpu.memory_space<semaphore_mem>>) src(%dma_wait3A_21 : memref<640x128xf32, #tpu.memory_space<hbm>>) dst(%dma_wait3A_19 : memref<640x128xf32, #tpu.memory_space<vmem_shared>>)
      tpu.yield
    }) : () -> ()
    "tpu.region"() ({
      %run_scoped3A = tpu.sem_alloc : memref<!tpu.dma_semaphore, #tpu.memory_space<semaphore_mem>>
      tpu.enqueue_dma source(%arg3 : memref<128x128xf32, #tpu.memory_space<hbm>>) target(%arg7 : memref<128x128xf32, #tpu.memory_space<vmem>>) target_semaphore(%run_scoped3A : memref<!tpu.dma_semaphore, #tpu.memory_space<semaphore_mem>>)
      tpu.wait_dma2 semaphore(%run_scoped3A : memref<!tpu.dma_semaphore, #tpu.memory_space<semaphore_mem>>) src(%arg3 : memref<128x128xf32, #tpu.memory_space<hbm>>) dst(%arg7 : memref<128x128xf32, #tpu.memory_space<vmem>>)
      tpu.yield
    }) : () -> ()
    %mul3A_5 = arith.constant 80 : i32
    %mul3A_6 = arith.muli %add3A, %mul3A_5 : i32
    "tpu.region"() ({
      %run_scoped3A = tpu.sem_alloc : memref<!tpu.dma_semaphore, #tpu.memory_space<semaphore_mem>>
      %dma_start3A = arith.constant 0 : i32
      %dma_start3A_16 = tpu.memref_slice %arg2[%mul3A_6, %dma_start3A] : memref<2560x128xi32, #tpu.memory_space<hbm>> -> memref<80x128xi32, #tpu.memory_space<hbm>>
      %dma_start3A_17 = arith.constant 0 : i32
      %dma_start3A_18 = tpu.memref_slice %arg2[%mul3A_6, %dma_start3A_17] : memref<2560x128xi32, #tpu.memory_space<hbm>> -> memref<80x128xi32, #tpu.memory_space<hbm>>
      tpu.enqueue_dma source(%dma_start3A_18 : memref<80x128xi32, #tpu.memory_space<hbm>>) target(%arg6 : memref<80x128xi32, #tpu.memory_space<vmem>>) target_semaphore(%run_scoped3A : memref<!tpu.dma_semaphore, #tpu.memory_space<semaphore_mem>>)
      %dma_wait3A = arith.constant 0 : i32
      %dma_wait3A_19 = tpu.memref_slice %arg2[%mul3A_6, %dma_wait3A] : memref<2560x128xi32, #tpu.memory_space<hbm>> -> memref<80x128xi32, #tpu.memory_space<hbm>>
      %dma_wait3A_20 = arith.constant 0 : i32
      %dma_wait3A_21 = tpu.memref_slice %arg2[%mul3A_6, %dma_wait3A_20] : memref<2560x128xi32, #tpu.memory_space<hbm>> -> memref<80x128xi32, #tpu.memory_space<hbm>>
      tpu.wait_dma2 semaphore(%run_scoped3A : memref<!tpu.dma_semaphore, #tpu.memory_space<semaphore_mem>>) src(%dma_wait3A_21 : memref<80x128xi32, #tpu.memory_space<hbm>>) dst(%arg6 : memref<80x128xi32, #tpu.memory_space<vmem>>)
      tpu.yield
    }) : () -> ()
    %barrier3A = arith.constant 0 : index
    tpu.barrier barrier_id(%barrier3A)
    %scan3A = arith.constant 0 : i32
    %scan3A_7 = arith.constant 80 : i32
    %scan3A_8 = arith.addi %scan3A, %scan3A_7 : i32
    %scan3A_9 = arith.constant 1 : i32
    scf.for %scan3A_16 = %scan3A to %scan3A_8 step %scan3A_9  : i32 {
      %mul3A_17 = arith.constant 1 : i32
      %mul3A_18 = arith.muli %scan3A_16, %mul3A_17 : i32
      %add3A_19 = arith.constant 0 : i32
      %add3A_20 = arith.addi %add3A_19, %mul3A_18 : i32
      "tpu.region"() ({
        %run_scoped3A = tpu.sem_alloc : memref<!tpu.dma_semaphore, #tpu.memory_space<semaphore_mem>>
        %dma_start3A = arith.constant 0 : i32
        %dma_start3A_21 = tpu.memref_slice %arg6[%add3A_20, %dma_start3A] : memref<80x128xi32, #tpu.memory_space<vmem>> -> memref<1x128xi32, #tpu.memory_space<vmem>>
        %dma_start3A_22 = tpu.memref_squeeze %dma_start3A_21 : memref<1x128xi32, #tpu.memory_space<vmem>> -> memref<128xi32, #tpu.memory_space<vmem>>
        %dma_start3A_23 = arith.constant 0 : i32
        %dma_start3A_24 = arith.constant 0 : i32
        %dma_start3A_25 = tpu.memref_slice %arg8[%dma_start3A_23, %dma_start3A_24] : memref<10240x128xf32, #tpu.memory_space<vmem_shared>> -> memref<10240x128xf32, #tpu.memory_space<vmem_shared>>
        tpu.enqueue_indirect_dma source(%arg7 : memref<128x128xf32, #tpu.memory_space<vmem>>) target(%dma_start3A_25 : memref<10240x128xf32, #tpu.memory_space<vmem_shared>>) offsets(%dma_start3A_22 : memref<128xi32, #tpu.memory_space<vmem>>) semaphore(%run_scoped3A : memref<!tpu.dma_semaphore, #tpu.memory_space<semaphore_mem>>) {add = true}
        %dma_wait3A = arith.constant 0 : i32
        %dma_wait3A_26 = tpu.memref_slice %arg6[%add3A_20, %dma_wait3A] : memref<80x128xi32, #tpu.memory_space<vmem>> -> memref<1x128xi32, #tpu.memory_space<vmem>>
        %dma_wait3A_27 = tpu.memref_squeeze %dma_wait3A_26 : memref<1x128xi32, #tpu.memory_space<vmem>> -> memref<128xi32, #tpu.memory_space<vmem>>
        %dma_wait3A_28 = arith.constant 0 : i32
        %dma_wait3A_29 = arith.constant 0 : i32
        %dma_wait3A_30 = tpu.memref_slice %arg8[%dma_wait3A_28, %dma_wait3A_29] : memref<10240x128xf32, #tpu.memory_space<vmem_shared>> -> memref<10240x128xf32, #tpu.memory_space<vmem_shared>>
        tpu.wait_indirect_dma semaphore(%run_scoped3A : memref<!tpu.dma_semaphore, #tpu.memory_space<semaphore_mem>>) src(%arg7 : memref<128x128xf32, #tpu.memory_space<vmem>>) dst(%dma_wait3A_30 : memref<10240x128xf32, #tpu.memory_space<vmem_shared>>)
        tpu.yield
      }) : () -> ()
    }
    %scan3A_10 = arith.constant 80 : i32
    %barrier3A_11 = arith.constant 0 : index
    tpu.barrier barrier_id(%barrier3A_11)
    %mul3A_12 = arith.constant 640 : i32
    %mul3A_13 = arith.muli %arg1, %mul3A_12 : i32
    %mul3A_14 = arith.constant 640 : i32
    %mul3A_15 = arith.muli %arg1, %mul3A_14 : i32
    "tpu.region"() ({
      %run_scoped3A = tpu.sem_alloc : memref<!tpu.dma_semaphore, #tpu.memory_space<semaphore_mem>>
      %dma_start3A = arith.constant 0 : i32
      %dma_start3A_16 = tpu.memref_slice %arg5[%arg0, %mul3A_15, %dma_start3A] : memref<2x10240x128xf32, #tpu.memory_space<hbm>> -> memref<1x640x128xf32, #tpu.memory_space<hbm>>
      %dma_start3A_17 = tpu.memref_squeeze %dma_start3A_16 : memref<1x640x128xf32, #tpu.memory_space<hbm>> -> memref<640x128xf32, #tpu.memory_space<hbm>>
      %dma_start3A_18 = arith.constant 0 : i32
      %dma_start3A_19 = tpu.memref_slice %arg8[%mul3A_13, %dma_start3A_18] : memref<10240x128xf32, #tpu.memory_space<vmem_shared>> -> memref<640x128xf32, #tpu.memory_space<vmem_shared>>
      tpu.enqueue_dma source(%dma_start3A_19 : memref<640x128xf32, #tpu.memory_space<vmem_shared>>) target(%dma_start3A_17 : memref<640x128xf32, #tpu.memory_space<hbm>>) target_semaphore(%run_scoped3A : memref<!tpu.dma_semaphore, #tpu.memory_space<semaphore_mem>>)
      %dma_wait3A = arith.constant 0 : i32
      %dma_wait3A_20 = tpu.memref_slice %arg5[%arg0, %mul3A_15, %dma_wait3A] : memref<2x10240x128xf32, #tpu.memory_space<hbm>> -> memref<1x640x128xf32, #tpu.memory_space<hbm>>
      %dma_wait3A_21 = tpu.memref_squeeze %dma_wait3A_20 : memref<1x640x128xf32, #tpu.memory_space<hbm>> -> memref<640x128xf32, #tpu.memory_space<hbm>>
      %dma_wait3A_22 = arith.constant 0 : i32
      %dma_wait3A_23 = tpu.memref_slice %arg8[%mul3A_13, %dma_wait3A_22] : memref<10240x128xf32, #tpu.memory_space<vmem_shared>> -> memref<640x128xf32, #tpu.memory_space<vmem_shared>>
      tpu.wait_dma2 semaphore(%run_scoped3A : memref<!tpu.dma_semaphore, #tpu.memory_space<semaphore_mem>>) src(%dma_wait3A_23 : memref<640x128xf32, #tpu.memory_space<vmem_shared>>) dst(%dma_wait3A_21 : memref<640x128xf32, #tpu.memory_space<hbm>>)
      tpu.yield
    }) : () -> ()
    return
  }
}

#map = affine_map<(d0, d1) -> (0, 0)>
#map1 = affine_map<(d0, d1) -> (0, 0, 0)>
module attributes {stable_mosaic.version = 14 : i64} {
  func.func @_edge_body(%arg0: i32, %arg1: i32, %arg2: memref<10240x128xf32, #tpu.memory_space<hbm>>, %arg3: memref<2560x128xi32, #tpu.memory_space<hbm>>, %arg4: memref<2560x128xi32, #tpu.memory_space<hbm>>, %arg5: memref<10240x128xf32, #tpu.memory_space<hbm>>, %arg6: memref<2x10240x128xf32, #tpu.memory_space<hbm>>, %arg7: memref<40x128xi32, #tpu.memory_space<vmem>>, %arg8: memref<40x128xi32, #tpu.memory_space<vmem>>, %arg9: memref<128x128xf32, #tpu.memory_space<vmem>>, %arg10: memref<128x128xf32, #tpu.memory_space<vmem>>, %arg11: memref<10240x128xf32, #tpu.memory_space<vmem_shared>>, %arg12: memref<!tpu.dma_semaphore, #tpu.memory_space<semaphore_mem>>, %arg13: memref<!tpu.dma_semaphore, #tpu.memory_space<semaphore_mem>>) attributes {dimension_semantics = [#tpu.dimension_semantics<core_parallel>, #tpu.dimension_semantics<subcore_parallel>], iteration_bounds = array<i64: 2, 16>, scalar_prefetch = 0 : i64, scratch_operands = 7 : i64, tpu.core_type = #tpu.core_type<sc_vector_subcore>, window_params = [{transform_indices = #map}, {transform_indices = #map}, {transform_indices = #map}, {transform_indices = #map}, {transform_indices = #map1}]} {
    %mul3A = arith.constant 640 : i32
    %mul3A_0 = arith.muli %arg1, %mul3A : i32
    %mul3A_1 = arith.constant 640 : i32
    %mul3A_2 = arith.muli %arg1, %mul3A_1 : i32
    "tpu.region"() ({
      %run_scoped3A = tpu.sem_alloc : memref<!tpu.dma_semaphore, #tpu.memory_space<semaphore_mem>>
      %dma_start3A = arith.constant 0 : i32
      %dma_start3A_34 = tpu.memref_slice %arg11[%mul3A_2, %dma_start3A] : memref<10240x128xf32, #tpu.memory_space<vmem_shared>> -> memref<640x128xf32, #tpu.memory_space<vmem_shared>>
      %dma_start3A_35 = arith.constant 0 : i32
      %dma_start3A_36 = tpu.memref_slice %arg5[%mul3A_0, %dma_start3A_35] : memref<10240x128xf32, #tpu.memory_space<hbm>> -> memref<640x128xf32, #tpu.memory_space<hbm>>
      tpu.enqueue_dma source(%dma_start3A_36 : memref<640x128xf32, #tpu.memory_space<hbm>>) target(%dma_start3A_34 : memref<640x128xf32, #tpu.memory_space<vmem_shared>>) target_semaphore(%run_scoped3A : memref<!tpu.dma_semaphore, #tpu.memory_space<semaphore_mem>>)
      %dma_wait3A = arith.constant 0 : i32
      %dma_wait3A_37 = tpu.memref_slice %arg11[%mul3A_2, %dma_wait3A] : memref<10240x128xf32, #tpu.memory_space<vmem_shared>> -> memref<640x128xf32, #tpu.memory_space<vmem_shared>>
      %dma_wait3A_38 = arith.constant 0 : i32
      %dma_wait3A_39 = tpu.memref_slice %arg5[%mul3A_0, %dma_wait3A_38] : memref<10240x128xf32, #tpu.memory_space<hbm>> -> memref<640x128xf32, #tpu.memory_space<hbm>>
      tpu.wait_dma2 semaphore(%run_scoped3A : memref<!tpu.dma_semaphore, #tpu.memory_space<semaphore_mem>>) src(%dma_wait3A_39 : memref<640x128xf32, #tpu.memory_space<hbm>>) dst(%dma_wait3A_37 : memref<640x128xf32, #tpu.memory_space<vmem_shared>>)
      tpu.yield
    }) : () -> ()
    %barrier3A = arith.constant 0 : index
    tpu.barrier barrier_id(%barrier3A)
    %eq3A = arith.constant 0 : i32
    %eq3A_3 = arith.cmpi eq, %arg0, %eq3A : i32
    %mul3A_4 = arith.constant 120 : i32
    %mul3A_5 = arith.muli %arg1, %mul3A_4 : i32
    %mul3A_6 = arith.constant 40 : i32
    %mul3A_7 = arith.muli %arg1, %mul3A_6 : i32
    %add3A = arith.constant 1920 : i32
    %add3A_8 = arith.addi %add3A, %mul3A_7 : i32
    %select_n3A = arith.select %eq3A_3, %mul3A_5, %add3A_8 : i32
    %eq3A_9 = arith.constant 0 : i32
    %eq3A_10 = arith.cmpi eq, %arg0, %eq3A_9 : i32
    %jit3A = arith.constant 3 : i32
    %jit3A_11 = arith.constant 1 : i32
    %select_n3A_12 = arith.select %eq3A_10, %jit3A, %jit3A_11 : i32
    %sub3A = arith.constant 0 : i32
    %sub3A_13 = arith.subi %select_n3A_12, %sub3A : i32
    %sub3A_14 = arith.constant 1 : i32
    %sub3A_15 = arith.constant 1 : i32
    %sub3A_16 = arith.subi %sub3A_14, %sub3A_15 : i32
    %add3A_17 = arith.addi %sub3A_13, %sub3A_16 : i32
    %div3A = arith.constant 1 : i32
    %div3A_18 = arith.divsi %add3A_17, %div3A : i32
    %while3A = arith.constant 1 : i32
    %while3A_19 = arith.constant 0 : i32
    %while3A_20 = arith.constant 0 : i32
    %while3A_21 = arith.subi %div3A_18, %while3A_20 : i32
    %while3A_22 = arith.addi %while3A_20, %while3A_21 : i32
    %while3A_23 = arith.constant 1 : i32
    %while3A_24 = arith.divsi %while3A_21, %while3A_23 : i32
    %while3A_25 = arith.muli %while3A_24, %while3A_23 : i32
    %while3A_26 = arith.addi %while3A_20, %while3A_25 : i32
    %while3A_27 = arith.constant 1 : i32
    scf.for %while3A_34 = %while3A_20 to %while3A_26 step %while3A_27  : i32 {
      %mul3A_35 = arith.muli %while3A_34, %while3A : i32
      %add3A_36 = arith.addi %while3A_19, %mul3A_35 : i32
      %mul3A_37 = arith.constant 40 : i32
      %mul3A_38 = arith.muli %add3A_36, %mul3A_37 : i32
      %add3A_39 = arith.addi %select_n3A, %mul3A_38 : i32
      "tpu.region"() ({
        %run_scoped3A = tpu.sem_alloc : memref<!tpu.dma_semaphore, #tpu.memory_space<semaphore_mem>>
        %dma_start3A = arith.constant 0 : i32
        %dma_start3A_47 = tpu.memref_slice %arg3[%add3A_39, %dma_start3A] : memref<2560x128xi32, #tpu.memory_space<hbm>> -> memref<40x128xi32, #tpu.memory_space<hbm>>
        %dma_start3A_48 = arith.constant 0 : i32
        %dma_start3A_49 = tpu.memref_slice %arg3[%add3A_39, %dma_start3A_48] : memref<2560x128xi32, #tpu.memory_space<hbm>> -> memref<40x128xi32, #tpu.memory_space<hbm>>
        tpu.enqueue_dma source(%dma_start3A_49 : memref<40x128xi32, #tpu.memory_space<hbm>>) target(%arg7 : memref<40x128xi32, #tpu.memory_space<vmem>>) target_semaphore(%run_scoped3A : memref<!tpu.dma_semaphore, #tpu.memory_space<semaphore_mem>>)
        %dma_wait3A = arith.constant 0 : i32
        %dma_wait3A_50 = tpu.memref_slice %arg3[%add3A_39, %dma_wait3A] : memref<2560x128xi32, #tpu.memory_space<hbm>> -> memref<40x128xi32, #tpu.memory_space<hbm>>
        %dma_wait3A_51 = arith.constant 0 : i32
        %dma_wait3A_52 = tpu.memref_slice %arg3[%add3A_39, %dma_wait3A_51] : memref<2560x128xi32, #tpu.memory_space<hbm>> -> memref<40x128xi32, #tpu.memory_space<hbm>>
        tpu.wait_dma2 semaphore(%run_scoped3A : memref<!tpu.dma_semaphore, #tpu.memory_space<semaphore_mem>>) src(%dma_wait3A_52 : memref<40x128xi32, #tpu.memory_space<hbm>>) dst(%arg7 : memref<40x128xi32, #tpu.memory_space<vmem>>)
        tpu.yield
      }) : () -> ()
      %mul3A_40 = arith.constant 40 : i32
      %mul3A_41 = arith.muli %add3A_36, %mul3A_40 : i32
      %add3A_42 = arith.addi %select_n3A, %mul3A_41 : i32
      "tpu.region"() ({
        %run_scoped3A = tpu.sem_alloc : memref<!tpu.dma_semaphore, #tpu.memory_space<semaphore_mem>>
        %dma_start3A = arith.constant 0 : i32
        %dma_start3A_47 = tpu.memref_slice %arg4[%add3A_42, %dma_start3A] : memref<2560x128xi32, #tpu.memory_space<hbm>> -> memref<40x128xi32, #tpu.memory_space<hbm>>
        %dma_start3A_48 = arith.constant 0 : i32
        %dma_start3A_49 = tpu.memref_slice %arg4[%add3A_42, %dma_start3A_48] : memref<2560x128xi32, #tpu.memory_space<hbm>> -> memref<40x128xi32, #tpu.memory_space<hbm>>
        tpu.enqueue_dma source(%dma_start3A_49 : memref<40x128xi32, #tpu.memory_space<hbm>>) target(%arg8 : memref<40x128xi32, #tpu.memory_space<vmem>>) target_semaphore(%run_scoped3A : memref<!tpu.dma_semaphore, #tpu.memory_space<semaphore_mem>>)
        %dma_wait3A = arith.constant 0 : i32
        %dma_wait3A_50 = tpu.memref_slice %arg4[%add3A_42, %dma_wait3A] : memref<2560x128xi32, #tpu.memory_space<hbm>> -> memref<40x128xi32, #tpu.memory_space<hbm>>
        %dma_wait3A_51 = arith.constant 0 : i32
        %dma_wait3A_52 = tpu.memref_slice %arg4[%add3A_42, %dma_wait3A_51] : memref<2560x128xi32, #tpu.memory_space<hbm>> -> memref<40x128xi32, #tpu.memory_space<hbm>>
        tpu.wait_dma2 semaphore(%run_scoped3A : memref<!tpu.dma_semaphore, #tpu.memory_space<semaphore_mem>>) src(%dma_wait3A_52 : memref<40x128xi32, #tpu.memory_space<hbm>>) dst(%arg8 : memref<40x128xi32, #tpu.memory_space<vmem>>)
        tpu.yield
      }) : () -> ()
      %scan3A = arith.constant 0 : i32
      %scan3A_43 = arith.constant 20 : i32
      %scan3A_44 = arith.addi %scan3A, %scan3A_43 : i32
      %scan3A_45 = arith.constant 1 : i32
      scf.for %scan3A_47 = %scan3A to %scan3A_44 step %scan3A_45  : i32 {
        %mul3A_48 = arith.constant 2 : i32
        %mul3A_49 = arith.muli %scan3A_47, %mul3A_48 : i32
        %add3A_50 = arith.constant 0 : i32
        %add3A_51 = arith.addi %add3A_50, %mul3A_49 : i32
        %dma_start3A = arith.constant 0 : i32
        %dma_start3A_52 = tpu.memref_slice %arg7[%add3A_51, %dma_start3A] : memref<40x128xi32, #tpu.memory_space<vmem>> -> memref<1x128xi32, #tpu.memory_space<vmem>>
        %dma_start3A_53 = tpu.memref_squeeze %dma_start3A_52 : memref<1x128xi32, #tpu.memory_space<vmem>> -> memref<128xi32, #tpu.memory_space<vmem>>
        %dma_start3A_54 = arith.constant 0 : i32
        %dma_start3A_55 = arith.constant 0 : i32
        %dma_start3A_56 = tpu.memref_slice %arg2[%dma_start3A_54, %dma_start3A_55] : memref<10240x128xf32, #tpu.memory_space<hbm>> -> memref<10240x128xf32, #tpu.memory_space<hbm>>
        tpu.enqueue_indirect_dma source(%dma_start3A_56 : memref<10240x128xf32, #tpu.memory_space<hbm>>) target(%arg9 : memref<128x128xf32, #tpu.memory_space<vmem>>) offsets(%dma_start3A_53 : memref<128xi32, #tpu.memory_space<vmem>>) semaphore(%arg12 : memref<!tpu.dma_semaphore, #tpu.memory_space<semaphore_mem>>)
        %add3A_57 = arith.constant 1 : i32
        %add3A_58 = arith.addi %add3A_51, %add3A_57 : i32
        %dma_start3A_59 = arith.constant 0 : i32
        %dma_start3A_60 = tpu.memref_slice %arg7[%add3A_58, %dma_start3A_59] : memref<40x128xi32, #tpu.memory_space<vmem>> -> memref<1x128xi32, #tpu.memory_space<vmem>>
        %dma_start3A_61 = tpu.memref_squeeze %dma_start3A_60 : memref<1x128xi32, #tpu.memory_space<vmem>> -> memref<128xi32, #tpu.memory_space<vmem>>
        %dma_start3A_62 = arith.constant 0 : i32
        %dma_start3A_63 = arith.constant 0 : i32
        %dma_start3A_64 = tpu.memref_slice %arg2[%dma_start3A_62, %dma_start3A_63] : memref<10240x128xf32, #tpu.memory_space<hbm>> -> memref<10240x128xf32, #tpu.memory_space<hbm>>
        tpu.enqueue_indirect_dma source(%dma_start3A_64 : memref<10240x128xf32, #tpu.memory_space<hbm>>) target(%arg10 : memref<128x128xf32, #tpu.memory_space<vmem>>) offsets(%dma_start3A_61 : memref<128xi32, #tpu.memory_space<vmem>>) semaphore(%arg13 : memref<!tpu.dma_semaphore, #tpu.memory_space<semaphore_mem>>)
        %dma_wait3A = arith.constant 0 : i32
        %dma_wait3A_65 = tpu.memref_slice %arg7[%add3A_51, %dma_wait3A] : memref<40x128xi32, #tpu.memory_space<vmem>> -> memref<1x128xi32, #tpu.memory_space<vmem>>
        %dma_wait3A_66 = tpu.memref_squeeze %dma_wait3A_65 : memref<1x128xi32, #tpu.memory_space<vmem>> -> memref<128xi32, #tpu.memory_space<vmem>>
        %dma_wait3A_67 = arith.constant 0 : i32
        %dma_wait3A_68 = arith.constant 0 : i32
        %dma_wait3A_69 = tpu.memref_slice %arg2[%dma_wait3A_67, %dma_wait3A_68] : memref<10240x128xf32, #tpu.memory_space<hbm>> -> memref<10240x128xf32, #tpu.memory_space<hbm>>
        tpu.wait_indirect_dma semaphore(%arg12 : memref<!tpu.dma_semaphore, #tpu.memory_space<semaphore_mem>>) src(%dma_wait3A_69 : memref<10240x128xf32, #tpu.memory_space<hbm>>) dst(%arg9 : memref<128x128xf32, #tpu.memory_space<vmem>>)
        "tpu.region"() ({
          %run_scoped3A = tpu.sem_alloc : memref<!tpu.dma_semaphore, #tpu.memory_space<semaphore_mem>>
          %dma_start3A_78 = arith.constant 0 : i32
          %dma_start3A_79 = tpu.memref_slice %arg8[%add3A_51, %dma_start3A_78] : memref<40x128xi32, #tpu.memory_space<vmem>> -> memref<1x128xi32, #tpu.memory_space<vmem>>
          %dma_start3A_80 = tpu.memref_squeeze %dma_start3A_79 : memref<1x128xi32, #tpu.memory_space<vmem>> -> memref<128xi32, #tpu.memory_space<vmem>>
          %dma_start3A_81 = arith.constant 0 : i32
          %dma_start3A_82 = arith.constant 0 : i32
          %dma_start3A_83 = tpu.memref_slice %arg11[%dma_start3A_81, %dma_start3A_82] : memref<10240x128xf32, #tpu.memory_space<vmem_shared>> -> memref<10240x128xf32, #tpu.memory_space<vmem_shared>>
          tpu.enqueue_indirect_dma source(%arg9 : memref<128x128xf32, #tpu.memory_space<vmem>>) target(%dma_start3A_83 : memref<10240x128xf32, #tpu.memory_space<vmem_shared>>) offsets(%dma_start3A_80 : memref<128xi32, #tpu.memory_space<vmem>>) semaphore(%run_scoped3A : memref<!tpu.dma_semaphore, #tpu.memory_space<semaphore_mem>>) {add = true}
          %dma_wait3A_84 = arith.constant 0 : i32
          %dma_wait3A_85 = tpu.memref_slice %arg8[%add3A_51, %dma_wait3A_84] : memref<40x128xi32, #tpu.memory_space<vmem>> -> memref<1x128xi32, #tpu.memory_space<vmem>>
          %dma_wait3A_86 = tpu.memref_squeeze %dma_wait3A_85 : memref<1x128xi32, #tpu.memory_space<vmem>> -> memref<128xi32, #tpu.memory_space<vmem>>
          %dma_wait3A_87 = arith.constant 0 : i32
          %dma_wait3A_88 = arith.constant 0 : i32
          %dma_wait3A_89 = tpu.memref_slice %arg11[%dma_wait3A_87, %dma_wait3A_88] : memref<10240x128xf32, #tpu.memory_space<vmem_shared>> -> memref<10240x128xf32, #tpu.memory_space<vmem_shared>>
          tpu.wait_indirect_dma semaphore(%run_scoped3A : memref<!tpu.dma_semaphore, #tpu.memory_space<semaphore_mem>>) src(%arg9 : memref<128x128xf32, #tpu.memory_space<vmem>>) dst(%dma_wait3A_89 : memref<10240x128xf32, #tpu.memory_space<vmem_shared>>)
          tpu.yield
        }) : () -> ()
        %dma_wait3A_70 = arith.constant 0 : i32
        %dma_wait3A_71 = tpu.memref_slice %arg7[%add3A_58, %dma_wait3A_70] : memref<40x128xi32, #tpu.memory_space<vmem>> -> memref<1x128xi32, #tpu.memory_space<vmem>>
        %dma_wait3A_72 = tpu.memref_squeeze %dma_wait3A_71 : memref<1x128xi32, #tpu.memory_space<vmem>> -> memref<128xi32, #tpu.memory_space<vmem>>
        %dma_wait3A_73 = arith.constant 0 : i32
        %dma_wait3A_74 = arith.constant 0 : i32
        %dma_wait3A_75 = tpu.memref_slice %arg2[%dma_wait3A_73, %dma_wait3A_74] : memref<10240x128xf32, #tpu.memory_space<hbm>> -> memref<10240x128xf32, #tpu.memory_space<hbm>>
        tpu.wait_indirect_dma semaphore(%arg13 : memref<!tpu.dma_semaphore, #tpu.memory_space<semaphore_mem>>) src(%dma_wait3A_75 : memref<10240x128xf32, #tpu.memory_space<hbm>>) dst(%arg10 : memref<128x128xf32, #tpu.memory_space<vmem>>)
        %add3A_76 = arith.constant 1 : i32
        %add3A_77 = arith.addi %add3A_51, %add3A_76 : i32
        "tpu.region"() ({
          %run_scoped3A = tpu.sem_alloc : memref<!tpu.dma_semaphore, #tpu.memory_space<semaphore_mem>>
          %dma_start3A_78 = arith.constant 0 : i32
          %dma_start3A_79 = tpu.memref_slice %arg8[%add3A_77, %dma_start3A_78] : memref<40x128xi32, #tpu.memory_space<vmem>> -> memref<1x128xi32, #tpu.memory_space<vmem>>
          %dma_start3A_80 = tpu.memref_squeeze %dma_start3A_79 : memref<1x128xi32, #tpu.memory_space<vmem>> -> memref<128xi32, #tpu.memory_space<vmem>>
          %dma_start3A_81 = arith.constant 0 : i32
          %dma_start3A_82 = arith.constant 0 : i32
          %dma_start3A_83 = tpu.memref_slice %arg11[%dma_start3A_81, %dma_start3A_82] : memref<10240x128xf32, #tpu.memory_space<vmem_shared>> -> memref<10240x128xf32, #tpu.memory_space<vmem_shared>>
          tpu.enqueue_indirect_dma source(%arg10 : memref<128x128xf32, #tpu.memory_space<vmem>>) target(%dma_start3A_83 : memref<10240x128xf32, #tpu.memory_space<vmem_shared>>) offsets(%dma_start3A_80 : memref<128xi32, #tpu.memory_space<vmem>>) semaphore(%run_scoped3A : memref<!tpu.dma_semaphore, #tpu.memory_space<semaphore_mem>>) {add = true}
          %dma_wait3A_84 = arith.constant 0 : i32
          %dma_wait3A_85 = tpu.memref_slice %arg8[%add3A_77, %dma_wait3A_84] : memref<40x128xi32, #tpu.memory_space<vmem>> -> memref<1x128xi32, #tpu.memory_space<vmem>>
          %dma_wait3A_86 = tpu.memref_squeeze %dma_wait3A_85 : memref<1x128xi32, #tpu.memory_space<vmem>> -> memref<128xi32, #tpu.memory_space<vmem>>
          %dma_wait3A_87 = arith.constant 0 : i32
          %dma_wait3A_88 = arith.constant 0 : i32
          %dma_wait3A_89 = tpu.memref_slice %arg11[%dma_wait3A_87, %dma_wait3A_88] : memref<10240x128xf32, #tpu.memory_space<vmem_shared>> -> memref<10240x128xf32, #tpu.memory_space<vmem_shared>>
          tpu.wait_indirect_dma semaphore(%run_scoped3A : memref<!tpu.dma_semaphore, #tpu.memory_space<semaphore_mem>>) src(%arg10 : memref<128x128xf32, #tpu.memory_space<vmem>>) dst(%dma_wait3A_89 : memref<10240x128xf32, #tpu.memory_space<vmem_shared>>)
          tpu.yield
        }) : () -> ()
      }
      %scan3A_46 = arith.constant 20 : i32
    }
    %while3A_28 = arith.constant 1 : i32
    scf.for %while3A_34 = %while3A_26 to %while3A_22 step %while3A_28  : i32 {
      %mul3A_35 = arith.muli %while3A_34, %while3A : i32
      %add3A_36 = arith.addi %while3A_19, %mul3A_35 : i32
      %mul3A_37 = arith.constant 40 : i32
      %mul3A_38 = arith.muli %add3A_36, %mul3A_37 : i32
      %add3A_39 = arith.addi %select_n3A, %mul3A_38 : i32
      "tpu.region"() ({
        %run_scoped3A = tpu.sem_alloc : memref<!tpu.dma_semaphore, #tpu.memory_space<semaphore_mem>>
        %dma_start3A = arith.constant 0 : i32
        %dma_start3A_47 = tpu.memref_slice %arg3[%add3A_39, %dma_start3A] : memref<2560x128xi32, #tpu.memory_space<hbm>> -> memref<40x128xi32, #tpu.memory_space<hbm>>
        %dma_start3A_48 = arith.constant 0 : i32
        %dma_start3A_49 = tpu.memref_slice %arg3[%add3A_39, %dma_start3A_48] : memref<2560x128xi32, #tpu.memory_space<hbm>> -> memref<40x128xi32, #tpu.memory_space<hbm>>
        tpu.enqueue_dma source(%dma_start3A_49 : memref<40x128xi32, #tpu.memory_space<hbm>>) target(%arg7 : memref<40x128xi32, #tpu.memory_space<vmem>>) target_semaphore(%run_scoped3A : memref<!tpu.dma_semaphore, #tpu.memory_space<semaphore_mem>>)
        %dma_wait3A = arith.constant 0 : i32
        %dma_wait3A_50 = tpu.memref_slice %arg3[%add3A_39, %dma_wait3A] : memref<2560x128xi32, #tpu.memory_space<hbm>> -> memref<40x128xi32, #tpu.memory_space<hbm>>
        %dma_wait3A_51 = arith.constant 0 : i32
        %dma_wait3A_52 = tpu.memref_slice %arg3[%add3A_39, %dma_wait3A_51] : memref<2560x128xi32, #tpu.memory_space<hbm>> -> memref<40x128xi32, #tpu.memory_space<hbm>>
        tpu.wait_dma2 semaphore(%run_scoped3A : memref<!tpu.dma_semaphore, #tpu.memory_space<semaphore_mem>>) src(%dma_wait3A_52 : memref<40x128xi32, #tpu.memory_space<hbm>>) dst(%arg7 : memref<40x128xi32, #tpu.memory_space<vmem>>)
        tpu.yield
      }) : () -> ()
      %mul3A_40 = arith.constant 40 : i32
      %mul3A_41 = arith.muli %add3A_36, %mul3A_40 : i32
      %add3A_42 = arith.addi %select_n3A, %mul3A_41 : i32
      "tpu.region"() ({
        %run_scoped3A = tpu.sem_alloc : memref<!tpu.dma_semaphore, #tpu.memory_space<semaphore_mem>>
        %dma_start3A = arith.constant 0 : i32
        %dma_start3A_47 = tpu.memref_slice %arg4[%add3A_42, %dma_start3A] : memref<2560x128xi32, #tpu.memory_space<hbm>> -> memref<40x128xi32, #tpu.memory_space<hbm>>
        %dma_start3A_48 = arith.constant 0 : i32
        %dma_start3A_49 = tpu.memref_slice %arg4[%add3A_42, %dma_start3A_48] : memref<2560x128xi32, #tpu.memory_space<hbm>> -> memref<40x128xi32, #tpu.memory_space<hbm>>
        tpu.enqueue_dma source(%dma_start3A_49 : memref<40x128xi32, #tpu.memory_space<hbm>>) target(%arg8 : memref<40x128xi32, #tpu.memory_space<vmem>>) target_semaphore(%run_scoped3A : memref<!tpu.dma_semaphore, #tpu.memory_space<semaphore_mem>>)
        %dma_wait3A = arith.constant 0 : i32
        %dma_wait3A_50 = tpu.memref_slice %arg4[%add3A_42, %dma_wait3A] : memref<2560x128xi32, #tpu.memory_space<hbm>> -> memref<40x128xi32, #tpu.memory_space<hbm>>
        %dma_wait3A_51 = arith.constant 0 : i32
        %dma_wait3A_52 = tpu.memref_slice %arg4[%add3A_42, %dma_wait3A_51] : memref<2560x128xi32, #tpu.memory_space<hbm>> -> memref<40x128xi32, #tpu.memory_space<hbm>>
        tpu.wait_dma2 semaphore(%run_scoped3A : memref<!tpu.dma_semaphore, #tpu.memory_space<semaphore_mem>>) src(%dma_wait3A_52 : memref<40x128xi32, #tpu.memory_space<hbm>>) dst(%arg8 : memref<40x128xi32, #tpu.memory_space<vmem>>)
        tpu.yield
      }) : () -> ()
      %scan3A = arith.constant 0 : i32
      %scan3A_43 = arith.constant 20 : i32
      %scan3A_44 = arith.addi %scan3A, %scan3A_43 : i32
      %scan3A_45 = arith.constant 1 : i32
      scf.for %scan3A_47 = %scan3A to %scan3A_44 step %scan3A_45  : i32 {
        %mul3A_48 = arith.constant 2 : i32
        %mul3A_49 = arith.muli %scan3A_47, %mul3A_48 : i32
        %add3A_50 = arith.constant 0 : i32
        %add3A_51 = arith.addi %add3A_50, %mul3A_49 : i32
        %dma_start3A = arith.constant 0 : i32
        %dma_start3A_52 = tpu.memref_slice %arg7[%add3A_51, %dma_start3A] : memref<40x128xi32, #tpu.memory_space<vmem>> -> memref<1x128xi32, #tpu.memory_space<vmem>>
        %dma_start3A_53 = tpu.memref_squeeze %dma_start3A_52 : memref<1x128xi32, #tpu.memory_space<vmem>> -> memref<128xi32, #tpu.memory_space<vmem>>
        %dma_start3A_54 = arith.constant 0 : i32
        %dma_start3A_55 = arith.constant 0 : i32
        %dma_start3A_56 = tpu.memref_slice %arg2[%dma_start3A_54, %dma_start3A_55] : memref<10240x128xf32, #tpu.memory_space<hbm>> -> memref<10240x128xf32, #tpu.memory_space<hbm>>
        tpu.enqueue_indirect_dma source(%dma_start3A_56 : memref<10240x128xf32, #tpu.memory_space<hbm>>) target(%arg9 : memref<128x128xf32, #tpu.memory_space<vmem>>) offsets(%dma_start3A_53 : memref<128xi32, #tpu.memory_space<vmem>>) semaphore(%arg12 : memref<!tpu.dma_semaphore, #tpu.memory_space<semaphore_mem>>)
        %add3A_57 = arith.constant 1 : i32
        %add3A_58 = arith.addi %add3A_51, %add3A_57 : i32
        %dma_start3A_59 = arith.constant 0 : i32
        %dma_start3A_60 = tpu.memref_slice %arg7[%add3A_58, %dma_start3A_59] : memref<40x128xi32, #tpu.memory_space<vmem>> -> memref<1x128xi32, #tpu.memory_space<vmem>>
        %dma_start3A_61 = tpu.memref_squeeze %dma_start3A_60 : memref<1x128xi32, #tpu.memory_space<vmem>> -> memref<128xi32, #tpu.memory_space<vmem>>
        %dma_start3A_62 = arith.constant 0 : i32
        %dma_start3A_63 = arith.constant 0 : i32
        %dma_start3A_64 = tpu.memref_slice %arg2[%dma_start3A_62, %dma_start3A_63] : memref<10240x128xf32, #tpu.memory_space<hbm>> -> memref<10240x128xf32, #tpu.memory_space<hbm>>
        tpu.enqueue_indirect_dma source(%dma_start3A_64 : memref<10240x128xf32, #tpu.memory_space<hbm>>) target(%arg10 : memref<128x128xf32, #tpu.memory_space<vmem>>) offsets(%dma_start3A_61 : memref<128xi32, #tpu.memory_space<vmem>>) semaphore(%arg13 : memref<!tpu.dma_semaphore, #tpu.memory_space<semaphore_mem>>)
        %dma_wait3A = arith.constant 0 : i32
        %dma_wait3A_65 = tpu.memref_slice %arg7[%add3A_51, %dma_wait3A] : memref<40x128xi32, #tpu.memory_space<vmem>> -> memref<1x128xi32, #tpu.memory_space<vmem>>
        %dma_wait3A_66 = tpu.memref_squeeze %dma_wait3A_65 : memref<1x128xi32, #tpu.memory_space<vmem>> -> memref<128xi32, #tpu.memory_space<vmem>>
        %dma_wait3A_67 = arith.constant 0 : i32
        %dma_wait3A_68 = arith.constant 0 : i32
        %dma_wait3A_69 = tpu.memref_slice %arg2[%dma_wait3A_67, %dma_wait3A_68] : memref<10240x128xf32, #tpu.memory_space<hbm>> -> memref<10240x128xf32, #tpu.memory_space<hbm>>
        tpu.wait_indirect_dma semaphore(%arg12 : memref<!tpu.dma_semaphore, #tpu.memory_space<semaphore_mem>>) src(%dma_wait3A_69 : memref<10240x128xf32, #tpu.memory_space<hbm>>) dst(%arg9 : memref<128x128xf32, #tpu.memory_space<vmem>>)
        "tpu.region"() ({
          %run_scoped3A = tpu.sem_alloc : memref<!tpu.dma_semaphore, #tpu.memory_space<semaphore_mem>>
          %dma_start3A_78 = arith.constant 0 : i32
          %dma_start3A_79 = tpu.memref_slice %arg8[%add3A_51, %dma_start3A_78] : memref<40x128xi32, #tpu.memory_space<vmem>> -> memref<1x128xi32, #tpu.memory_space<vmem>>
          %dma_start3A_80 = tpu.memref_squeeze %dma_start3A_79 : memref<1x128xi32, #tpu.memory_space<vmem>> -> memref<128xi32, #tpu.memory_space<vmem>>
          %dma_start3A_81 = arith.constant 0 : i32
          %dma_start3A_82 = arith.constant 0 : i32
          %dma_start3A_83 = tpu.memref_slice %arg11[%dma_start3A_81, %dma_start3A_82] : memref<10240x128xf32, #tpu.memory_space<vmem_shared>> -> memref<10240x128xf32, #tpu.memory_space<vmem_shared>>
          tpu.enqueue_indirect_dma source(%arg9 : memref<128x128xf32, #tpu.memory_space<vmem>>) target(%dma_start3A_83 : memref<10240x128xf32, #tpu.memory_space<vmem_shared>>) offsets(%dma_start3A_80 : memref<128xi32, #tpu.memory_space<vmem>>) semaphore(%run_scoped3A : memref<!tpu.dma_semaphore, #tpu.memory_space<semaphore_mem>>) {add = true}
          %dma_wait3A_84 = arith.constant 0 : i32
          %dma_wait3A_85 = tpu.memref_slice %arg8[%add3A_51, %dma_wait3A_84] : memref<40x128xi32, #tpu.memory_space<vmem>> -> memref<1x128xi32, #tpu.memory_space<vmem>>
          %dma_wait3A_86 = tpu.memref_squeeze %dma_wait3A_85 : memref<1x128xi32, #tpu.memory_space<vmem>> -> memref<128xi32, #tpu.memory_space<vmem>>
          %dma_wait3A_87 = arith.constant 0 : i32
          %dma_wait3A_88 = arith.constant 0 : i32
          %dma_wait3A_89 = tpu.memref_slice %arg11[%dma_wait3A_87, %dma_wait3A_88] : memref<10240x128xf32, #tpu.memory_space<vmem_shared>> -> memref<10240x128xf32, #tpu.memory_space<vmem_shared>>
          tpu.wait_indirect_dma semaphore(%run_scoped3A : memref<!tpu.dma_semaphore, #tpu.memory_space<semaphore_mem>>) src(%arg9 : memref<128x128xf32, #tpu.memory_space<vmem>>) dst(%dma_wait3A_89 : memref<10240x128xf32, #tpu.memory_space<vmem_shared>>)
          tpu.yield
        }) : () -> ()
        %dma_wait3A_70 = arith.constant 0 : i32
        %dma_wait3A_71 = tpu.memref_slice %arg7[%add3A_58, %dma_wait3A_70] : memref<40x128xi32, #tpu.memory_space<vmem>> -> memref<1x128xi32, #tpu.memory_space<vmem>>
        %dma_wait3A_72 = tpu.memref_squeeze %dma_wait3A_71 : memref<1x128xi32, #tpu.memory_space<vmem>> -> memref<128xi32, #tpu.memory_space<vmem>>
        %dma_wait3A_73 = arith.constant 0 : i32
        %dma_wait3A_74 = arith.constant 0 : i32
        %dma_wait3A_75 = tpu.memref_slice %arg2[%dma_wait3A_73, %dma_wait3A_74] : memref<10240x128xf32, #tpu.memory_space<hbm>> -> memref<10240x128xf32, #tpu.memory_space<hbm>>
        tpu.wait_indirect_dma semaphore(%arg13 : memref<!tpu.dma_semaphore, #tpu.memory_space<semaphore_mem>>) src(%dma_wait3A_75 : memref<10240x128xf32, #tpu.memory_space<hbm>>) dst(%arg10 : memref<128x128xf32, #tpu.memory_space<vmem>>)
        %add3A_76 = arith.constant 1 : i32
        %add3A_77 = arith.addi %add3A_51, %add3A_76 : i32
        "tpu.region"() ({
          %run_scoped3A = tpu.sem_alloc : memref<!tpu.dma_semaphore, #tpu.memory_space<semaphore_mem>>
          %dma_start3A_78 = arith.constant 0 : i32
          %dma_start3A_79 = tpu.memref_slice %arg8[%add3A_77, %dma_start3A_78] : memref<40x128xi32, #tpu.memory_space<vmem>> -> memref<1x128xi32, #tpu.memory_space<vmem>>
          %dma_start3A_80 = tpu.memref_squeeze %dma_start3A_79 : memref<1x128xi32, #tpu.memory_space<vmem>> -> memref<128xi32, #tpu.memory_space<vmem>>
          %dma_start3A_81 = arith.constant 0 : i32
          %dma_start3A_82 = arith.constant 0 : i32
          %dma_start3A_83 = tpu.memref_slice %arg11[%dma_start3A_81, %dma_start3A_82] : memref<10240x128xf32, #tpu.memory_space<vmem_shared>> -> memref<10240x128xf32, #tpu.memory_space<vmem_shared>>
          tpu.enqueue_indirect_dma source(%arg10 : memref<128x128xf32, #tpu.memory_space<vmem>>) target(%dma_start3A_83 : memref<10240x128xf32, #tpu.memory_space<vmem_shared>>) offsets(%dma_start3A_80 : memref<128xi32, #tpu.memory_space<vmem>>) semaphore(%run_scoped3A : memref<!tpu.dma_semaphore, #tpu.memory_space<semaphore_mem>>) {add = true}
          %dma_wait3A_84 = arith.constant 0 : i32
          %dma_wait3A_85 = tpu.memref_slice %arg8[%add3A_77, %dma_wait3A_84] : memref<40x128xi32, #tpu.memory_space<vmem>> -> memref<1x128xi32, #tpu.memory_space<vmem>>
          %dma_wait3A_86 = tpu.memref_squeeze %dma_wait3A_85 : memref<1x128xi32, #tpu.memory_space<vmem>> -> memref<128xi32, #tpu.memory_space<vmem>>
          %dma_wait3A_87 = arith.constant 0 : i32
          %dma_wait3A_88 = arith.constant 0 : i32
          %dma_wait3A_89 = tpu.memref_slice %arg11[%dma_wait3A_87, %dma_wait3A_88] : memref<10240x128xf32, #tpu.memory_space<vmem_shared>> -> memref<10240x128xf32, #tpu.memory_space<vmem_shared>>
          tpu.wait_indirect_dma semaphore(%run_scoped3A : memref<!tpu.dma_semaphore, #tpu.memory_space<semaphore_mem>>) src(%arg10 : memref<128x128xf32, #tpu.memory_space<vmem>>) dst(%dma_wait3A_89 : memref<10240x128xf32, #tpu.memory_space<vmem_shared>>)
          tpu.yield
        }) : () -> ()
      }
      %scan3A_46 = arith.constant 20 : i32
    }
    %barrier3A_29 = arith.constant 0 : index
    tpu.barrier barrier_id(%barrier3A_29)
    %mul3A_30 = arith.constant 640 : i32
    %mul3A_31 = arith.muli %arg1, %mul3A_30 : i32
    %mul3A_32 = arith.constant 640 : i32
    %mul3A_33 = arith.muli %arg1, %mul3A_32 : i32
    "tpu.region"() ({
      %run_scoped3A = tpu.sem_alloc : memref<!tpu.dma_semaphore, #tpu.memory_space<semaphore_mem>>
      %dma_start3A = arith.constant 0 : i32
      %dma_start3A_34 = tpu.memref_slice %arg6[%arg0, %mul3A_33, %dma_start3A] : memref<2x10240x128xf32, #tpu.memory_space<hbm>> -> memref<1x640x128xf32, #tpu.memory_space<hbm>>
      %dma_start3A_35 = tpu.memref_squeeze %dma_start3A_34 : memref<1x640x128xf32, #tpu.memory_space<hbm>> -> memref<640x128xf32, #tpu.memory_space<hbm>>
      %dma_start3A_36 = arith.constant 0 : i32
      %dma_start3A_37 = tpu.memref_slice %arg11[%mul3A_31, %dma_start3A_36] : memref<10240x128xf32, #tpu.memory_space<vmem_shared>> -> memref<640x128xf32, #tpu.memory_space<vmem_shared>>
      tpu.enqueue_dma source(%dma_start3A_37 : memref<640x128xf32, #tpu.memory_space<vmem_shared>>) target(%dma_start3A_35 : memref<640x128xf32, #tpu.memory_space<hbm>>) target_semaphore(%run_scoped3A : memref<!tpu.dma_semaphore, #tpu.memory_space<semaphore_mem>>)
      %dma_wait3A = arith.constant 0 : i32
      %dma_wait3A_38 = tpu.memref_slice %arg6[%arg0, %mul3A_33, %dma_wait3A] : memref<2x10240x128xf32, #tpu.memory_space<hbm>> -> memref<1x640x128xf32, #tpu.memory_space<hbm>>
      %dma_wait3A_39 = tpu.memref_squeeze %dma_wait3A_38 : memref<1x640x128xf32, #tpu.memory_space<hbm>> -> memref<640x128xf32, #tpu.memory_space<hbm>>
      %dma_wait3A_40 = arith.constant 0 : i32
      %dma_wait3A_41 = tpu.memref_slice %arg11[%mul3A_31, %dma_wait3A_40] : memref<10240x128xf32, #tpu.memory_space<vmem_shared>> -> memref<640x128xf32, #tpu.memory_space<vmem_shared>>
      tpu.wait_dma2 semaphore(%run_scoped3A : memref<!tpu.dma_semaphore, #tpu.memory_space<semaphore_mem>>) src(%dma_wait3A_41 : memref<640x128xf32, #tpu.memory_space<vmem_shared>>) dst(%dma_wait3A_39 : memref<640x128xf32, #tpu.memory_space<hbm>>)
      tpu.yield
    }) : () -> ()
    return
  }
}

module attributes {stable_mosaic.version = 14 : i64} {
  func.func @_hs_body(%arg0: i32, %arg1: memref<640x128xf32, #tpu.memory_space<vmem>>, %arg2: memref<128x128xf32, #tpu.memory_space<vmem>>, %arg3: memref<640x1xf32, #tpu.memory_space<vmem>>, %arg4: memref<640x1xf32, #tpu.memory_space<vmem>>, %arg5: memref<640x128xf32, #tpu.memory_space<vmem>>) attributes {dimension_semantics = [#tpu.dimension_semantics<arbitrary>], iteration_bounds = array<i64: 16>, scalar_prefetch = 0 : i64, scratch_operands = 0 : i64, tpu.core_type = #tpu.core_type<tc>, window_params = [{transform_indices = @transform_0, window_bounds = array<i64: 640, 128>}, {pipeline_mode = #tpu.pipeline_mode<synchronous>, transform_indices = @transform_1, window_bounds = array<i64: 128, 128>}, {transform_indices = @transform_2, window_bounds = array<i64: 640, 1>}, {transform_indices = @transform_3, window_bounds = array<i64: 640, 1>}, {transform_indices = @transform_4, window_bounds = array<i64: 640, 128>}]} {
    %get3A = arith.constant 0 : index
    %get3A_0 = arith.constant 0 : index
    %get3A_1 = vector.load %arg3[%get3A, %get3A_0] : memref<640x1xf32, #tpu.memory_space<vmem>>, vector<640x1xf32>
    %get3A_2 = arith.constant 0 : index
    %get3A_3 = arith.constant 0 : index
    %get3A_4 = vector.load %arg4[%get3A_2, %get3A_3] : memref<640x1xf32, #tpu.memory_space<vmem>>, vector<640x1xf32>
    %add3A = arith.addf %get3A_1, %get3A_4 : vector<640x1xf32>
    %add3A_5 = arith.constant 1.000000e+00 : f32
    %add3A_6 = vector.broadcast %add3A_5 : f32 to vector<640x1xf32>
    %add3A_7 = arith.addf %add3A, %add3A_6 : vector<640x1xf32>
    %rsqrt3A = math.rsqrt %add3A_7 : vector<640x1xf32>
    %get3A_8 = arith.constant 0 : index
    %get3A_9 = arith.constant 0 : index
    %get3A_10 = vector.load %arg1[%get3A_8, %get3A_9] : memref<640x128xf32, #tpu.memory_space<vmem>>, vector<640x128xf32>
    %get3A_11 = arith.constant 0 : index
    %get3A_12 = arith.constant 0 : index
    %get3A_13 = vector.load %arg2[%get3A_11, %get3A_12] : memref<128x128xf32, #tpu.memory_space<vmem>>, vector<128x128xf32>
    %dot_general3A = arith.constant dense<0.000000e+00> : vector<640x128xf32>
    %dot_general3A_14 = tpu.matmul %get3A_10, %get3A_13, %dot_general3A {dimension_numbers = #tpu.dot_dimension_numbers<[1], [0], [0], [1], [0, 0, 1, 1], [], []>, transpose_lhs_hint = false} : vector<640x128xf32>, vector<128x128xf32>, vector<640x128xf32> -> vector<640x128xf32>
    %mul3A = vector.broadcast %rsqrt3A : vector<640x1xf32> to vector<640x128xf32>
    %mul3A_15 = arith.mulf %dot_general3A_14, %mul3A : vector<640x128xf32>
    %swap3A = arith.constant 0 : index
    %swap3A_16 = arith.constant 0 : index
    %swap3A_17 = vector.load %arg5[%swap3A, %swap3A_16] : memref<640x128xf32, #tpu.memory_space<vmem>>, vector<640x128xf32>
    tpu.vector_store %arg5[%swap3A, %swap3A_16], %mul3A_15 {strides = array<i32>} : memref<640x128xf32, #tpu.memory_space<vmem>>, vector<640x128xf32>,
    return
  }
  func.func @transform_0(%arg0: i32) -> (i32, i32) {
    %c0_i32 = arith.constant 0 : i32
    %c0_i32_0 = arith.constant 0 : i32
    return %arg0, %c0_i32 : i32, i32
  }
  func.func @transform_1(%arg0: i32) -> (i32, i32) {
    %c0_i32 = arith.constant 0 : i32
    %c0_i32_0 = arith.constant 0 : i32
    %c0_i32_1 = arith.constant 0 : i32
    return %c0_i32, %c0_i32_0 : i32, i32
  }
  func.func @transform_2(%arg0: i32) -> (i32, i32) {
    %c0_i32 = arith.constant 0 : i32
    %c0_i32_0 = arith.constant 0 : i32
    return %arg0, %c0_i32 : i32, i32
  }
  func.func @transform_3(%arg0: i32) -> (i32, i32) {
    %c0_i32 = arith.constant 0 : i32
    %c0_i32_0 = arith.constant 0 : i32
    return %arg0, %c0_i32 : i32, i32
  }
  func.func @transform_4(%arg0: i32) -> (i32, i32) {
    %c0_i32 = arith.constant 0 : i32
    %c0_i32_0 = arith.constant 0 : i32
    return %arg0, %c0_i32 : i32, i32
  }
}

module attributes {stable_mosaic.version = 14 : i64} {
  func.func @_out_body(%arg0: i32, %arg1: memref<640x128xf32, #tpu.memory_space<vmem>>, %arg2: memref<640x128xf32, #tpu.memory_space<vmem>>, %arg3: memref<640x128xf32, #tpu.memory_space<vmem>>, %arg4: memref<640x1xf32, #tpu.memory_space<vmem>>, %arg5: memref<640x1xf32, #tpu.memory_space<vmem>>, %arg6: memref<1x128xf32, #tpu.memory_space<vmem>>, %arg7: memref<640x128xf32, #tpu.memory_space<vmem>>) attributes {dimension_semantics = [#tpu.dimension_semantics<arbitrary>], iteration_bounds = array<i64: 16>, scalar_prefetch = 0 : i64, scratch_operands = 0 : i64, tpu.core_type = #tpu.core_type<tc>, window_params = [{transform_indices = @transform_0, window_bounds = array<i64: 640, 128>}, {transform_indices = @transform_1, window_bounds = array<i64: 640, 128>}, {transform_indices = @transform_2, window_bounds = array<i64: 640, 128>}, {transform_indices = @transform_3, window_bounds = array<i64: 640, 1>}, {transform_indices = @transform_4, window_bounds = array<i64: 640, 1>}, {pipeline_mode = #tpu.pipeline_mode<synchronous>, transform_indices = @transform_5, window_bounds = array<i64: 1, 128>}, {transform_indices = @transform_6, window_bounds = array<i64: 640, 128>}]} {
    %get3A = arith.constant 0 : index
    %get3A_0 = arith.constant 0 : index
    %get3A_1 = vector.load %arg4[%get3A, %get3A_0] : memref<640x1xf32, #tpu.memory_space<vmem>>, vector<640x1xf32>
    %get3A_2 = arith.constant 0 : index
    %get3A_3 = arith.constant 0 : index
    %get3A_4 = vector.load %arg5[%get3A_2, %get3A_3] : memref<640x1xf32, #tpu.memory_space<vmem>>, vector<640x1xf32>
    %add3A = arith.addf %get3A_1, %get3A_4 : vector<640x1xf32>
    %add3A_5 = arith.constant 1.000000e+00 : f32
    %add3A_6 = vector.broadcast %add3A_5 : f32 to vector<640x1xf32>
    %add3A_7 = arith.addf %add3A, %add3A_6 : vector<640x1xf32>
    %rsqrt3A = math.rsqrt %add3A_7 : vector<640x1xf32>
    %get3A_8 = arith.constant 0 : index
    %get3A_9 = arith.constant 0 : index
    %get3A_10 = vector.load %arg1[%get3A_8, %get3A_9] : memref<640x128xf32, #tpu.memory_space<vmem>>, vector<640x128xf32>
    %get3A_11 = arith.constant 0 : index
    %get3A_12 = arith.constant 0 : index
    %get3A_13 = vector.load %arg2[%get3A_11, %get3A_12] : memref<640x128xf32, #tpu.memory_space<vmem>>, vector<640x128xf32>
    %add3A_14 = arith.addf %get3A_10, %get3A_13 : vector<640x128xf32>
    %get3A_15 = arith.constant 0 : index
    %get3A_16 = arith.constant 0 : index
    %get3A_17 = vector.load %arg3[%get3A_15, %get3A_16] : memref<640x128xf32, #tpu.memory_space<vmem>>, vector<640x128xf32>
    %add3A_18 = arith.addf %add3A_14, %get3A_17 : vector<640x128xf32>
    %mul3A = vector.broadcast %rsqrt3A : vector<640x1xf32> to vector<640x128xf32>
    %mul3A_19 = arith.mulf %mul3A, %add3A_18 : vector<640x128xf32>
    %get3A_20 = arith.constant 0 : index
    %get3A_21 = arith.constant 0 : index
    %get3A_22 = vector.load %arg6[%get3A_20, %get3A_21] : memref<1x128xf32, #tpu.memory_space<vmem>>, vector<1x128xf32>
    %add3A_23 = vector.broadcast %get3A_22 : vector<1x128xf32> to vector<640x128xf32>
    %add3A_24 = arith.addf %mul3A_19, %add3A_23 : vector<640x128xf32>
    %swap3A = arith.constant 0 : index
    %swap3A_25 = arith.constant 0 : index
    %swap3A_26 = vector.load %arg7[%swap3A, %swap3A_25] : memref<640x128xf32, #tpu.memory_space<vmem>>, vector<640x128xf32>
    tpu.vector_store %arg7[%swap3A, %swap3A_25], %add3A_24 {strides = array<i32>} : memref<640x128xf32, #tpu.memory_space<vmem>>, vector<640x128xf32>,
    return
  }
  func.func @transform_0(%arg0: i32) -> (i32, i32) {
    %c0_i32 = arith.constant 0 : i32
    %c0_i32_0 = arith.constant 0 : i32
    return %arg0, %c0_i32 : i32, i32
  }
  func.func @transform_1(%arg0: i32) -> (i32, i32) {
    %c0_i32 = arith.constant 0 : i32
    %c0_i32_0 = arith.constant 0 : i32
    return %arg0, %c0_i32 : i32, i32
  }
  func.func @transform_2(%arg0: i32) -> (i32, i32) {
    %c0_i32 = arith.constant 0 : i32
    %c0_i32_0 = arith.constant 0 : i32
    return %arg0, %c0_i32 : i32, i32
  }
  func.func @transform_3(%arg0: i32) -> (i32, i32) {
    %c0_i32 = arith.constant 0 : i32
    %c0_i32_0 = arith.constant 0 : i32
    return %arg0, %c0_i32 : i32, i32
  }
  func.func @transform_4(%arg0: i32) -> (i32, i32) {
    %c0_i32 = arith.constant 0 : i32
    %c0_i32_0 = arith.constant 0 : i32
    return %arg0, %c0_i32 : i32, i32
  }
  func.func @transform_5(%arg0: i32) -> (i32, i32) {
    %c0_i32 = arith.constant 0 : i32
    %c0_i32_0 = arith.constant 0 : i32
    %c0_i32_1 = arith.constant 0 : i32
    return %c0_i32, %c0_i32_0 : i32, i32
  }
  func.func @transform_6(%arg0: i32) -> (i32, i32) {
    %c0_i32 = arith.constant 0 : i32
    %c0_i32_0 = arith.constant 0 : i32
    return %arg0, %c0_i32 : i32, i32
  }
}

</mosaic_0001>

<sc_bundles>
// kernel: kernel.6.cloned.1.call-start
scs
__scs_entry_jumppad:
0x0: {  	(pc) =	sbr.rel $0x88, $3  }
0x1: {  	(tag) =	ssettag $0x0;
	lr =	simm.s32 $0x1  }
0x2: {  	[smem:$0x3F9D] =	sst lr;
	_ =	strace $0xD0000000  }
0x3: {  	_ = 	snop  }
0x4: {  	_ = 	snop  }
0x5: {  	_ = 	snop  }
0x6: {  	_ = 	snop  }
0x7: {  	_ = 	snop  }
__scs_overlays_trampoline_lowered:
0x8: {  	[smem:$0x3FAC] =	sst s0  }
0x9: {  	[smem:$0x3FAD] =	sst s1  }
0xa: {  	[smem:$0x3FAE] =	sst s2  }
0xb: {  	[smem:$0x3FAF] =	sst s3  }
0xc: {  	[smem:$0x3FB0] =	sst s4  }
0xd: {  	[smem:$0x3FB1] =	sst s5  }
0xe: {  	[smem:$0x3FB2] =	sst s6  }
0xf: {  	[smem:$0x3FB3] =	sst s7  }
0x10: {  	[smem:$0x3FB4] =	sst s8  }
0x11: {  	[smem:$0x3FB5] =	sst s9;
	s0 =	simm.s32 @!p0 $0x0  }
0x12: {  	s1 =	sld [smem:$0x3F9B];
	s0 =	simm.s32 @p0 $0x1  }
0x13: {  	[smem:$0x3FB6] =	sst s0;
	s0 =	simm.s32 @!p1 $0x0  }
0x14: {  	s2 =	sld [smem:$0x3F9A];
	s0 =	simm.s32 @p1 $0x1  }
0x15: {  	[smem:$0x3FB7] =	sst s0;
	s0 =	simm.s32 @!p2 $0x0  }
0x16: {  	s3 =	sld [smem:$0x3FDB];
	s0 =	simm.s32 @p2 $0x1  }
0x17: {  	s4 =	simm.s32 $0x1BF5;
	[smem:$0x3FB9] =	sst s0  }
0x18: {  	s0 =	sld [smem:$0x3F9C];
	_ =	swait.ge [sflag:s4], $0x0  }
0x19: {  	s7 =	sld [smem:$0x3F9D]  }
0x1a: {  	s8 =	sadd.s32 $0xFFFFE003, lr  }
0x1b: {  	s9 =	sadd.s32 $0xFFFFFEF7, lr;
	s5 =	simm.s32 $0xFFFFFFFF;
	p2 =	slt.u32 s8, $0xFFFFF086  }
0x1c: {  	p1 =	slt.u32 s9, $0xF7A;
	s5 =	simm.s32 @!p2 $0x0  }
0x1d: {  	s5 =	simm.s32 @p1 $0x1;
	p0 =	seq.s32 s7, s2  }
0x1e: {  	s7 =	smul.u32 @!p0 $0xF7A, s2;
	p2 =	seq.s32 @!p0 s5, $0x0  }
0x1f: {  	s9 =	smul.u32 $0xF7A, s1;
	s8 =	simm.s32 @!p0 $0x1BF5;
	p2 =	por !p2, p0  }
0x20: {  	[sflag:s8] =	ssyncset.s32 @!p0 $0xFFFFF086;
	s6 =	sadd.s32 @!p0 s3, s7;
	s7 =	simm.s32 @!p0 $0x108  }
0x21: {  	s3 =	sadd.s32 s3, s9;
	s6 =	sadd.s32 @!p0 $0x88, s6;
	s7 =	simm.s32 @p2 $0x1082  }
0x22: {  	[simem:s7], [sflag:s8] =	dma.local @!p0 [hbm:s6], $0xF7A  }
0x23: {  	s9 =	sor.u32 $0xD0000000, s2;
	s6 =	simm.s32 $0x108;
	_ =	swait.ge @!p0 [sflag:s8], $0x0  }
0x24: {  	s3 =	sadd.s32 $0x88, s3;
	s6 =	simm.s32 @!p1 $0x1082;
	[sflag:s4] =	ssyncset.s32 $0xFFFFF086  }
0x25: {  	[simem:s6], [sflag:s4] =	dma.local [hbm:s3], $0xF7A  }
0x26: {  	[smem:$0x3F9D] =	sst s1;
	(tag) =	ssettag s2;
	_ =	strace s9  }
0x27: {  	s1 =	sld [smem:$0x3FAD]  }
0x28: {  	s2 =	sld [smem:$0x3FAE]  }
0x29: {  	s4 =	sld [smem:$0x3FB0]  }
0x2a: {  	p0 =	seq.s32 s5, $0x0;
	s5 =	sld [smem:$0x3FB1]  }
0x2b: {  	s6 =	sld [smem:$0x3FB2]  }
0x2c: {  	s7 =	sld [smem:$0x3FB3]  }
0x2d: {  	s3 =	simm.s32 $0x108;
	s8 =	sld [smem:$0x3FB4]  }
0x2e: {  	s3 =	simm.s32 @!p0 $0x1082;
	s9 =	sld [smem:$0x3FB5]  }
0x2f: {  	lr =	sadd.s32 s0, s3;
	s0 =	sld [smem:$0x3FAC]  }
0x30: {  	s3 =	sld [smem:$0x3FAF]  }
0x31: {  	[smem:$0x3FB8] =	sst s10  }
0x32: {  	s10 =	sld [smem:$0x3FB6];
	_ =	sdelay $0x3  }
0x33: {  	p0 =	seq.s32 s10, $0x1;
	s10 =	sld [smem:$0x3FB8];
	_ =	sdelay $0x3  }
0x34: {  	[smem:$0x3FB8] =	sst s10  }
0x35: {  	s10 =	sld [smem:$0x3FB7];
	_ =	sdelay $0x3  }
0x36: {  	p1 =	seq.s32 s10, $0x1;
	s10 =	sld [smem:$0x3FB8];
	_ =	sdelay $0x3  }
0x37: {  	[smem:$0x3FB8] =	sst s10  }
0x38: {  	s10 =	sld [smem:$0x3FB9]  }
0x39: {  	_ = 	snop;
	(pc) =	sbr.ind lr, $3  }
0x3a: {  	_ = 	snop  }
0x3b: {  	_ = 	snop  }
0x3c: {  	p2 =	seq.s32 s10, $0x1;
	s10 =	sld [smem:$0x3FB8]  }
0x3d: {  	_ =	shalt  }
0x3e: {  	_ =	shalt  }
0x3f: {  	_ =	shalt  }
0x40: {  	_ =	shalt  }
0x41: {  	_ =	shalt  }
0x42: {  	_ =	shalt  }
0x43: {  	_ =	shalt  }
0x44: {  	_ =	shalt  }
0x45: {  	_ =	shalt  }
0x46: {  	_ =	shalt  }
0x47: {  	_ =	shalt  }
0x48: {  	_ =	shalt  }
0x49: {  	_ =	shalt  }
0x4a: {  	_ =	shalt  }
0x4b: {  	_ =	shalt  }
0x4c: {  	_ =	shalt  }
0x4d: {  	_ =	shalt  }
0x4e: {  	_ =	shalt  }
0x4f: {  	_ =	shalt  }
0x50: {  	_ =	shalt  }
0x51: {  	_ =	shalt  }
0x52: {  	_ =	shalt  }
0x53: {  	_ =	shalt  }
0x54: {  	_ =	shalt  }
0x55: {  	_ =	shalt  }
0x56: {  	_ =	shalt  }
0x57: {  	_ =	shalt  }
0x58: {  	_ =	shalt  }
0x59: {  	_ =	shalt  }
0x5a: {  	_ =	shalt  }
0x5b: {  	_ =	shalt  }
0x5c: {  	_ =	shalt  }
0x5d: {  	_ =	shalt  }
0x5e: {  	_ =	shalt  }
0x5f: {  	_ =	shalt  }
0x60: {  	_ =	shalt  }
0x61: {  	_ =	shalt  }
0x62: {  	_ =	shalt  }
0x63: {  	_ =	shalt  }
0x64: {  	_ =	shalt  }
0x65: {  	_ =	shalt  }
0x66: {  	_ =	shalt  }
0x67: {  	_ =	shalt  }
0x68: {  	_ =	shalt  }
0x69: {  	_ =	shalt  }
0x6a: {  	_ =	shalt  }
0x6b: {  	_ =	shalt  }
0x6c: {  	_ =	shalt  }
0x6d: {  	_ =	shalt  }
0x6e: {  	_ =	shalt  }
0x6f: {  	_ =	shalt  }
0x70: {  	_ =	shalt  }
0x71: {  	_ =	shalt  }
0x72: {  	_ =	shalt  }
0x73: {  	_ =	shalt  }
0x74: {  	_ =	shalt  }
0x75: {  	_ =	shalt  }
0x76: {  	_ =	shalt  }
0x77: {  	_ =	shalt  }
0x78: {  	_ =	shalt  }
0x79: {  	_ =	shalt  }
0x7a: {  	_ =	shalt  }
0x7b: {  	_ =	shalt  }
0x7c: {  	_ =	shalt  }
0x7d: {  	_ =	shalt  }
0x7e: {  	_ =	shalt  }
0x7f: {  	_ =	shalt  }
0x80: {  	_ =	shalt  }
0x81: {  	_ =	shalt  }
0x82: {  	_ =	shalt  }
0x83: {  	_ =	shalt  }
0x84: {  	_ =	shalt  }
0x85: {  	_ =	shalt  }
0x86: {  	_ =	shalt  }
0x87: {  	_ =	shalt  }
.Lfunc_end0:
.L_simem_size_0:
called_computation_lowered:
.L_overlay_start_0:
0x88: {  	s2 =	sld [smem:$0x3FD9]  }
0x89: {  	s3 =	sld [smem:$0x3FFE];
	_ =	sdelay $0x1  }
0x8a: {  	s1 =	srdreg.scid  }
0x8b: {  	s0 =	sand.u32 $0x1, s1  }
0x8c: {  	s16 =	sshll.u32 s0, $0xA;
	s2 =	sadd.s32 s3, s2  }
0x8d: {  	s2 =	sadd.s32 s2, s16  }
0x8e: {  	[smem:$0x3FC4] =	sst s2  }
0x8f: {  	_ = 	snop  }
0x90: {  	(tm) =	ssettm $0x1  }
0x91: {  	s17 =	sld [smem:$0x3FFB];
	_ =	sdelay $0x3  }
0x92: {  	_ =	strace s17  }
0x93: {  	s2 =	sld [smem:$0x3FFC];
	_ =	sdelay $0x3  }
0x94: {  	_ =	strace s2  }
0x95: {  	s2 =	sld [smem:$0x3FFD];
	_ =	sdelay $0x3  }
0x96: {  	_ =	strace s2  }
0x97: {  	_ =	strace $0x8FFFFFFF  }
0x98: {  	s18 =	sld [smem:$0x3FDB];
	_ =	sdelay $0x1  }
0x99: {  	s19 =	simm.s32 $_scs_section_size  }
0x9a: {  	s4 =	simm.s32 $_size__tile_overlayer_lowered;
	s5 =	simm.s32 $_tile_overlayer_lowered  }
0x9b: {  	s22 =	simm.s32 $0x1BFF;
	s21 =	sshll.u32 s5, $0x1;
	s2 =	sadd.s32 s19, s18  }
0x9c: {  	s6 =	simm.s32 $0x0;
	s20 =	sshll.u32 s4, $0x1;
	s4 =	sadd.s32 s21, s2  }
0x9d: {  	[timem:s6], [sflag:s22] =	dma.local [hbm:s4], s20  }
0x9e: {  	_ =	swait.ge [sflag:s22], s20  }
0x9f: {  	s3 =	ssub.s32 $0x0, s20;
	[sflag:s22] =	ssyncset.done $0x0  }
0xa0: {  	[sflag:s22] =	ssyncadd.s32 s3;
	_ =	sdelay $0x1  }
0xa1: {  	s23 =	simm.s32 $0x1B8B  }
0xa2: {  	_ =	swait.ge [sflag:s23], $0x1  }
0xa3: {  	[sflag:s23] =	ssyncset.done $0x0  }
0xa4: {  	s25 =	simm.s32 $0x1B8E;
	s24 =	sld [smem:$0x3FFE];
	[sflag:s23] =	ssyncadd.s32 $0xFFFFFFFF  }
0xa5: {  	s26 =	simm.s32 $execute0_lowered;
	[smem:$0x3FD2] =	sst s25  }
0xa6: {  	s4 =	sshll.u32 s26, $0x1;
	_ =	strace $0x80000046;
	[dreg:$0x1] =	wrdreg $0xFFFFFFFF  }
0xa7: {  	s28 =	simm.s32 $_size_execute0_lowered;
	s2 =	sadd.s32 s2, s4;
	[dreg:$0x0] =	wrdreg $0x0  }
0xa8: {  	s4 =	sshll.u32 s28, $0x1;
	[dreg:$0x2] =	wrdreg s2  }
0xa9: {  	[dreg:$0x3] =	wrdreg s4  }
0xaa: {  	[dreg:$0x4] =	wrdreg $0xC0  }
0xab: {  	_ =	task [dreg:s6], $0x5FFFF  }
0xac: {  	[dreg:$0x1] =	wrdreg $0xFFFFFFFF  }
0xad: {  	[dreg:$0x0] =	wrdreg $0x60  }
0xae: {  	[dreg:$0x2] =	wrdreg s24  }
0xaf: {  	[dreg:$0x3] =	wrdreg $0x68000  }
0xb0: {  	[dreg:$0x4] =	wrdreg $0x9  }
0xb1: {  	_ =	task.clear_ibuf [dreg:s6], $0x5FFFF;
	_ =	strace $0x90000046  }
0xb2: {  	s29 =	simm.s32 $0x9;
	_ =	strace $0x80000048  }
0xb3: {  	_ =	swait.ge [sflag:s29], $0x1  }
0xb4: {  	[sflag:s29] =	ssyncadd.s32 $0xFFFFFFFF  }
0xb5: {  	_ =	strace $0x90000048  }
0xb6: {  	_ =	sfence  }
0xb7: {  	s30 =	sld [smem:$0x0];
	_ =	sdelay $0x2  }
0xb8: {  	s31 =	sshll.u32 s1, $0xD;
	s1 =	sshrl.u32 s1, $0x2  }
0xb9: {  	s3 =	sand.u32 $0x4000, s31;
	s1 =	sadd.s32 s1, s30  }
0xba: {  	s0 =	sor.u32 s3, s0;
	s1 =	sshll.u32 s1, $0x11  }
0xbb: {  	s0 =	sor.u32 s1, s0  }
0xbc: {  	s0 =	sadd.s32 $0x8F2B, s0  }
0xbd: {  	[sflag:s0] =	ssyncadd.remote.s32 $0x1  }
0xbe: {  	_ =	sfence.sel $0xFFFF  }
0xbf: {  	[dreg:$0x0] =	wrdreg $0xFFFFFFFF;
	(pc) =	sbr.abs _section_cstart, $3  }
0xc0: {  	[dreg:$0x1] =	wrdreg $0xFFFFFFFF  }
0xc1: {  	_ =	task.clear_ibuf [dreg:s6], $0x2FFFF;
	_ =	strace $0x9FFFFFFF  }
0xc2: {  	(tm) =	ssettm $0x7FFFFFFF  }
0xc3: {  	_ =	shalt  }
tec
execute0_lowered:
.L_overlay_start_1:
0x0: {  	(tag) =	ssettag $0x1  }
0x1: {  	s0 =	srdreg.scid;
	s6 =	rddreg [dreg:$0x0]  }
0x2: {  	s2 =	rddreg [dreg:$0x1];
	s5 =	sand.u32 $0x1, s0;
	s0 =	stileid.u32  }
0x3: {  	s3 =	simm.s32 $0x0;
	s14 =	simm.s32 $0x0;
	s7 =	smul.u32 $0x14000, s0  }
0x4: {  	[smem:$0x7FF] =	sst s3;
	s1 =	sshll.u32 s5, $0x4;
	s8 =	smul.u32 $0x140000, s5  }
0x5: {  	s5 =	ssub.s32 $0x2, s5;
	s29 =	smul.u32 $0x50000, s0;
	s31 =	sshll.u32 s0, $0x6  }
0x6: {  	s4 =	sor.u32 s0, s1;
	s1 =	rddreg [dreg:$0x2];
	_ =	strace $0x80000047  }
0x7: {  	s11 =	sshrl.u32 s5, $0x1;
	s4 =	smul.u32 $0x500, s4;
	s10 =	sshrl.u32 s7, $0x3  }
0x8: {  	s7 =	sadd.s32 s7, s8;
	s11 =	ssub.s32 s5, s11;
	s30 =	sshrl.u32 s29, $0x2  }
0x9: {  	s10 =	sadd.s32 s10, s6;
	s7 =	sshrl.u32 s7, $0x3;
	s13 =	sadd.s32 s30, s2  }
0xa: {  	s9 =	sadd.s32 s4, s6;
	s4 =	sadd.s32 $0xBA00, s6;
	s12 =	sadd.s32 s7, s6  }
0xb: {  	s5 =	sadd.s32 $0xC200, s10;
	s6 =	sor.u32 $0x1C01, s31;
	s10 =	sshrl.u32 s13, $0x3  }
0xc: {  	s13 =	simm.s32 $0x80;
	s7 =	sadd.s32 $0x1A00, s9;
	s8 =	sadd.s32 $0x34200, s12  }
0xd: {  	s9 =	smax.u32 s11, $0x1;
	s11 =	simm.s32 $0x1;
	s12 =	simm.s32 $0x2800  }
.LBB2_1:
0xe: {  	[spmem:s10], [sflag:s6] =	dma.local [hbm:s5], $0x2800  }
0xf: {  	_ =	swait.ge [sflag:s11], $0x2800  }
0x10: {  	[sflag:s11] =	ssyncset.done $0x0  }
0x11: {  	[sflag:s11] =	ssyncadd.s32 $0xFFFFD800  }
0x12: {  	[tilespmem:s12], [sflag:$0x1] =	stream.linear.gather [hbm4b:s4+s3], $0x4000, $0x38;
	[tilespmem:$0x1A800] =	vst v63  }
0x13: {  	_ =	swait.ge [sflag:s11], $0x4000  }
0x14: {  	[sflag:s11] =	ssyncset.done $0x0  }
0x15: {  	[sflag:s11] =	ssyncadd.s32 $0xFFFFC000  }
0x16: {  	[tilespmem:s3], [sflag:$0x1] =	stream.linear.gather [hbm4b:s7+s3], $0x2800, $0x38;
	[tilespmem:$0x1A800] =	vst v63  }
0x17: {  	_ =	swait.ge [sflag:s11], $0x2800  }
0x18: {  	[sflag:s11] =	ssyncset.done $0x0  }
0x19: {  	[sflag:s11] =	ssyncadd.s32 $0xFFFFD800  }
0x1a: {  	s15 =	simm.s32 $0x0;
	[bflag:$0x0] =	sbarrier.arrive $0xFFFF  }
0x1b: {  	[spmem:s2] =	stream.indirect.scatter.add.f32 [tilespmem:s12], [sflag:$0x1], $0x80, s15, s13, $0xb8;
	[tilespmem:$0x1A800] =	vst v63  }
0x1c: {  	_ =	swait.ge [sflag:s11], $0x4000  }
0x1d: {  	s15 =	simm.s32 $0x200;
	[sflag:s11] =	ssyncset.done $0x0  }
.LBB2_2:
0x1e: {  	s16 =	sshra.s32 s15, $0x2;
	[sflag:s11] =	ssyncadd.s32 $0xFFFFC000;
	p0 =	sne.s32 s15, $0x9E00  }
0x1f: {  	[spmem:s2] =	stream.indirect.scatter.add.f32 [tilespmem:s12], [sflag:$0x1], $0x80, s16, s13, $0xb8;
	[tilespmem:$0x1A800] =	vst v63  }
.Ltmp0:
0x20: {  	_ = 	snop;
	(pc) =	sbr.rel @p0 .LBB2_2-.Ltmp0, $4  }
0x21: {  	_ = 	snop  }
0x22: {  	s15 =	sadd.s32 $0x200, s15  }
0x23: {  	_ =	swait.ge [sflag:s11], $0x4000  }
0x24: {  	[sflag:s11] =	ssyncset.done $0x0  }
0x25: {  	s14 =	sadd.s32 $0x1, s14  }
0x26: {  	[sflag:s11] =	ssyncadd.s32 $0xFFFFC000;
	p0 =	sne.s32 s14, s9  }
.Ltmp1:
0x27: {  	[bflag:$0x0] =	sbarrier.arrive $0xFFFF;
	(pc) =	sbr.rel @p0 .LBB2_1-.Ltmp1, $4  }
0x28: {  	[hbm:s8], [sflag:s6] =	dma.local [spmem:s10], $0x2800  }
0x29: {  	_ =	swait.ge [sflag:s11], $0x2800  }
0x2a: {  	[sflag:s11] =	ssyncset.done $0x0  }
0x2b: {  	[sflag:s11] =	ssyncadd.s32 $0xFFFFD800  }
0x2c: {  	_ =	sfence.sel $0x180000  }
0x2d: {  	[bflag:$0x0] =	sbarrier.arrive $0xFFFF  }
0x2e: {  	p0 =	sne.s32 s0, $0x0;
	_ =	strace $0x90000047  }
0x2f: {  	s0 =	sadd.s32 @!p0 $0x100000, s1;
	[bflag:$0x2] =	sbarrier.arrive $0xFFFF  }
0x30: {  	[sflag:s0] =	ssyncadd.tile.s32 @!p0 $0x1;
	_ =	shalt  }
.Lfunc_end2:
_tile_overlayer_lowered:
.L_overlay_start_2:
0x31: {  	(tag) =	ssettag $0x2  }
0x32: {  	s0 =	rddreg [dreg:$0x0];
	s2 =	stileid.u32  }
0x33: {  	s1 =	rddreg [dreg:$0x1];
	p0 =	sne.s32 s2, $0x0  }
0x34: {  	s3 =	rddreg [dreg:$0x2];
	[bflag:$0x3] =	sbarrier.arrive $0xFFFF;
	s2 =	simm.s32 @!p0 $0x1C01  }
0x35: {  	[timem:s3], [sflag:s2] =	dma.local @!p0 [hbm:s0], s1  }
0x36: {  	s0 =	simm.s32 @!p0 $0x1  }
0x37: {  	_ =	swait.ge @!p0 [sflag:s0], s1  }
0x38: {  	s1 =	ssub.s32 @!p0 $0x0, s1;
	[sflag:s0] =	ssyncset.done @!p0 $0x0  }
0x39: {  	[sflag:s0] =	ssyncadd.s32 @!p0 s1  }
0x3a: {  	[bflag:$0x3] =	sbarrier.arrive $0xFFFF  }
0x3b: {  	_ =	shalt  }

// kernel: kernel.9.cloned.1.call-start
scs
__scs_entry_jumppad:
0x0: {  	(pc) =	sbr.rel $0x88, $3  }
0x1: {  	(tag) =	ssettag $0x0;
	lr =	simm.s32 $0x1  }
0x2: {  	[smem:$0x3F9D] =	sst lr;
	_ =	strace $0xD0000000  }
0x3: {  	_ = 	snop  }
0x4: {  	_ = 	snop  }
0x5: {  	_ = 	snop  }
0x6: {  	_ = 	snop  }
0x7: {  	_ = 	snop  }
__scs_overlays_trampoline_lowered:
0x8: {  	[smem:$0x3FAC] =	sst s0  }
0x9: {  	[smem:$0x3FAD] =	sst s1  }
0xa: {  	[smem:$0x3FAE] =	sst s2  }
0xb: {  	[smem:$0x3FAF] =	sst s3  }
0xc: {  	[smem:$0x3FB0] =	sst s4  }
0xd: {  	[smem:$0x3FB1] =	sst s5  }
0xe: {  	[smem:$0x3FB2] =	sst s6  }
0xf: {  	[smem:$0x3FB3] =	sst s7  }
0x10: {  	[smem:$0x3FB4] =	sst s8  }
0x11: {  	[smem:$0x3FB5] =	sst s9;
	s0 =	simm.s32 @!p0 $0x0  }
0x12: {  	s1 =	sld [smem:$0x3F9B];
	s0 =	simm.s32 @p0 $0x1  }
0x13: {  	[smem:$0x3FB6] =	sst s0;
	s0 =	simm.s32 @!p1 $0x0  }
0x14: {  	s2 =	sld [smem:$0x3F9A];
	s0 =	simm.s32 @p1 $0x1  }
0x15: {  	[smem:$0x3FB7] =	sst s0;
	s0 =	simm.s32 @!p2 $0x0  }
0x16: {  	s3 =	sld [smem:$0x3FDB];
	s0 =	simm.s32 @p2 $0x1  }
0x17: {  	s4 =	simm.s32 $0x1BF5;
	[smem:$0x3FB9] =	sst s0  }
0x18: {  	s0 =	sld [smem:$0x3F9C];
	_ =	swait.ge [sflag:s4], $0x0  }
0x19: {  	s7 =	sld [smem:$0x3F9D]  }
0x1a: {  	s8 =	sadd.s32 $0xFFFFE003, lr  }
0x1b: {  	s9 =	sadd.s32 $0xFFFFFEF7, lr;
	s5 =	simm.s32 $0xFFFFFFFF;
	p2 =	slt.u32 s8, $0xFFFFF086  }
0x1c: {  	p1 =	slt.u32 s9, $0xF7A;
	s5 =	simm.s32 @!p2 $0x0  }
0x1d: {  	s5 =	simm.s32 @p1 $0x1;
	p0 =	seq.s32 s7, s2  }
0x1e: {  	s7 =	smul.u32 @!p0 $0xF7A, s2;
	p2 =	seq.s32 @!p0 s5, $0x0  }
0x1f: {  	s9 =	smul.u32 $0xF7A, s1;
	s8 =	simm.s32 @!p0 $0x1BF5;
	p2 =	por !p2, p0  }
0x20: {  	[sflag:s8] =	ssyncset.s32 @!p0 $0xFFFFF086;
	s6 =	sadd.s32 @!p0 s3, s7;
	s7 =	simm.s32 @!p0 $0x108  }
0x21: {  	s3 =	sadd.s32 s3, s9;
	s6 =	sadd.s32 @!p0 $0x88, s6;
	s7 =	simm.s32 @p2 $0x1082  }
0x22: {  	[simem:s7], [sflag:s8] =	dma.local @!p0 [hbm:s6], $0xF7A  }
0x23: {  	s9 =	sor.u32 $0xD0000000, s2;
	s6 =	simm.s32 $0x108;
	_ =	swait.ge @!p0 [sflag:s8], $0x0  }
0x24: {  	s3 =	sadd.s32 $0x88, s3;
	s6 =	simm.s32 @!p1 $0x1082;
	[sflag:s4] =	ssyncset.s32 $0xFFFFF086  }
0x25: {  	[simem:s6], [sflag:s4] =	dma.local [hbm:s3], $0xF7A  }
0x26: {  	[smem:$0x3F9D] =	sst s1;
	(tag) =	ssettag s2;
	_ =	strace s9  }
0x27: {  	s1 =	sld [smem:$0x3FAD]  }
0x28: {  	s2 =	sld [smem:$0x3FAE]  }
0x29: {  	s4 =	sld [smem:$0x3FB0]  }
0x2a: {  	p0 =	seq.s32 s5, $0x0;
	s5 =	sld [smem:$0x3FB1]  }
0x2b: {  	s6 =	sld [smem:$0x3FB2]  }
0x2c: {  	s7 =	sld [smem:$0x3FB3]  }
0x2d: {  	s3 =	simm.s32 $0x108;
	s8 =	sld [smem:$0x3FB4]  }
0x2e: {  	s3 =	simm.s32 @!p0 $0x1082;
	s9 =	sld [smem:$0x3FB5]  }
0x2f: {  	lr =	sadd.s32 s0, s3;
	s0 =	sld [smem:$0x3FAC]  }
0x30: {  	s3 =	sld [smem:$0x3FAF]  }
0x31: {  	[smem:$0x3FB8] =	sst s10  }
0x32: {  	s10 =	sld [smem:$0x3FB6];
	_ =	sdelay $0x3  }
0x33: {  	p0 =	seq.s32 s10, $0x1;
	s10 =	sld [smem:$0x3FB8];
	_ =	sdelay $0x3  }
0x34: {  	[smem:$0x3FB8] =	sst s10  }
0x35: {  	s10 =	sld [smem:$0x3FB7];
	_ =	sdelay $0x3  }
0x36: {  	p1 =	seq.s32 s10, $0x1;
	s10 =	sld [smem:$0x3FB8];
	_ =	sdelay $0x3  }
0x37: {  	[smem:$0x3FB8] =	sst s10  }
0x38: {  	s10 =	sld [smem:$0x3FB9]  }
0x39: {  	_ = 	snop;
	(pc) =	sbr.ind lr, $3  }
0x3a: {  	_ = 	snop  }
0x3b: {  	_ = 	snop  }
0x3c: {  	p2 =	seq.s32 s10, $0x1;
	s10 =	sld [smem:$0x3FB8]  }
0x3d: {  	_ =	shalt  }
0x3e: {  	_ =	shalt  }
0x3f: {  	_ =	shalt  }
0x40: {  	_ =	shalt  }
0x41: {  	_ =	shalt  }
0x42: {  	_ =	shalt  }
0x43: {  	_ =	shalt  }
0x44: {  	_ =	shalt  }
0x45: {  	_ =	shalt  }
0x46: {  	_ =	shalt  }
0x47: {  	_ =	shalt  }
0x48: {  	_ =	shalt  }
0x49: {  	_ =	shalt  }
0x4a: {  	_ =	shalt  }
0x4b: {  	_ =	shalt  }
0x4c: {  	_ =	shalt  }
0x4d: {  	_ =	shalt  }
0x4e: {  	_ =	shalt  }
0x4f: {  	_ =	shalt  }
0x50: {  	_ =	shalt  }
0x51: {  	_ =	shalt  }
0x52: {  	_ =	shalt  }
0x53: {  	_ =	shalt  }
0x54: {  	_ =	shalt  }
0x55: {  	_ =	shalt  }
0x56: {  	_ =	shalt  }
0x57: {  	_ =	shalt  }
0x58: {  	_ =	shalt  }
0x59: {  	_ =	shalt  }
0x5a: {  	_ =	shalt  }
0x5b: {  	_ =	shalt  }
0x5c: {  	_ =	shalt  }
0x5d: {  	_ =	shalt  }
0x5e: {  	_ =	shalt  }
0x5f: {  	_ =	shalt  }
0x60: {  	_ =	shalt  }
0x61: {  	_ =	shalt  }
0x62: {  	_ =	shalt  }
0x63: {  	_ =	shalt  }
0x64: {  	_ =	shalt  }
0x65: {  	_ =	shalt  }
0x66: {  	_ =	shalt  }
0x67: {  	_ =	shalt  }
0x68: {  	_ =	shalt  }
0x69: {  	_ =	shalt  }
0x6a: {  	_ =	shalt  }
0x6b: {  	_ =	shalt  }
0x6c: {  	_ =	shalt  }
0x6d: {  	_ =	shalt  }
0x6e: {  	_ =	shalt  }
0x6f: {  	_ =	shalt  }
0x70: {  	_ =	shalt  }
0x71: {  	_ =	shalt  }
0x72: {  	_ =	shalt  }
0x73: {  	_ =	shalt  }
0x74: {  	_ =	shalt  }
0x75: {  	_ =	shalt  }
0x76: {  	_ =	shalt  }
0x77: {  	_ =	shalt  }
0x78: {  	_ =	shalt  }
0x79: {  	_ =	shalt  }
0x7a: {  	_ =	shalt  }
0x7b: {  	_ =	shalt  }
0x7c: {  	_ =	shalt  }
0x7d: {  	_ =	shalt  }
0x7e: {  	_ =	shalt  }
0x7f: {  	_ =	shalt  }
0x80: {  	_ =	shalt  }
0x81: {  	_ =	shalt  }
0x82: {  	_ =	shalt  }
0x83: {  	_ =	shalt  }
0x84: {  	_ =	shalt  }
0x85: {  	_ =	shalt  }
0x86: {  	_ =	shalt  }
0x87: {  	_ =	shalt  }
.Lfunc_end0:
.L_simem_size_0:
called_computation.1_lowered:
.L_overlay_start_0:
0x88: {  	s2 =	sld [smem:$0x3FD9]  }
0x89: {  	s3 =	sld [smem:$0x3FFE];
	_ =	sdelay $0x1  }
0x8a: {  	s1 =	srdreg.scid  }
0x8b: {  	s0 =	sand.u32 $0x1, s1  }
0x8c: {  	s17 =	sshll.u32 s0, $0xA;
	s2 =	sadd.s32 s3, s2  }
0x8d: {  	s2 =	sadd.s32 s2, s17  }
0x8e: {  	[smem:$0x3FC4] =	sst s2  }
0x8f: {  	_ = 	snop  }
0x90: {  	s2 =	sld [smem:$0x3FD0];
	(tm) =	ssettm $0x1  }
0x91: {  	s18 =	sld [smem:$0x3FFB];
	_ =	sdelay $0x3  }
0x92: {  	_ =	strace s18  }
0x93: {  	s3 =	sld [smem:$0x3FFC];
	_ =	sdelay $0x3  }
0x94: {  	_ =	strace s3  }
0x95: {  	s3 =	sld [smem:$0x3FFD];
	_ =	sdelay $0x3  }
0x96: {  	_ =	strace s3  }
0x97: {  	_ =	strace $0x8FFFFFFF  }
0x98: {  	s19 =	sld [smem:$0x3FDB];
	_ =	sdelay $0x1  }
0x99: {  	s4 =	simm.s32 $_scs_section_size  }
0x9a: {  	s5 =	simm.s32 $_size__tile_overlayer_lowered;
	s6 =	simm.s32 $_tile_overlayer_lowered  }
0x9b: {  	s22 =	simm.s32 $0x1BFF;
	s21 =	sshll.u32 s6, $0x1;
	s3 =	sadd.s32 s4, s19  }
0x9c: {  	s7 =	simm.s32 $0x0;
	s20 =	sshll.u32 s5, $0x1;
	s5 =	sadd.s32 s21, s3  }
0x9d: {  	[timem:s7], [sflag:s22] =	dma.local [hbm:s5], s20  }
0x9e: {  	_ =	swait.ge [sflag:s22], s20  }
0x9f: {  	s4 =	ssub.s32 $0x0, s20;
	[sflag:s22] =	ssyncset.done $0x0  }
0xa0: {  	[sflag:s22] =	ssyncadd.s32 s4;
	_ =	sdelay $0x1  }
0xa1: {  	s23 =	simm.s32 $0x1B8B  }
0xa2: {  	_ =	swait.ge [sflag:s23], $0x1  }
0xa3: {  	[sflag:s23] =	ssyncset.done $0x0  }
0xa4: {  	s25 =	simm.s32 $0x1B8E;
	s24 =	sld [smem:$0x3FFE];
	[sflag:s23] =	ssyncadd.s32 $0xFFFFFFFF  }
0xa5: {  	s26 =	simm.s32 $execute0_lowered;
	[smem:$0x3FD2] =	sst s25  }
0xa6: {  	s5 =	sshll.u32 s26, $0x1;
	_ =	strace $0x80000049;
	[dreg:$0x1] =	wrdreg $0xFFFFFFFF  }
0xa7: {  	s28 =	simm.s32 $_size_execute0_lowered;
	s3 =	sadd.s32 s3, s5;
	[dreg:$0x0] =	wrdreg $0x0  }
0xa8: {  	s5 =	sshll.u32 s28, $0x1;
	[dreg:$0x2] =	wrdreg s3  }
0xa9: {  	[dreg:$0x3] =	wrdreg s5  }
0xaa: {  	[dreg:$0x4] =	wrdreg $0xC0  }
0xab: {  	_ =	task [dreg:s7], $0x5FFFF  }
0xac: {  	[dreg:$0x1] =	wrdreg $0xFFFFFFFF  }
0xad: {  	[dreg:$0x0] =	wrdreg $0x60  }
0xae: {  	[dreg:$0x2] =	wrdreg s24  }
0xaf: {  	[dreg:$0x3] =	wrdreg s2  }
0xb0: {  	[dreg:$0x4] =	wrdreg $0xA8000  }
0xb1: {  	[dreg:$0x5] =	wrdreg $0x9  }
0xb2: {  	_ =	task.clear_ibuf [dreg:s7], $0x6FFFF;
	_ =	strace $0x90000049  }
0xb3: {  	s29 =	simm.s32 $0x9;
	_ =	strace $0x8000004B  }
0xb4: {  	_ =	swait.ge [sflag:s29], $0x1  }
0xb5: {  	[sflag:s29] =	ssyncadd.s32 $0xFFFFFFFF  }
0xb6: {  	_ =	strace $0x9000004B  }
0xb7: {  	_ =	sfence  }
0xb8: {  	s30 =	sld [smem:$0x0];
	_ =	sdelay $0x2  }
0xb9: {  	s31 =	sshll.u32 s1, $0xD;
	s1 =	sshrl.u32 s1, $0x2  }
0xba: {  	s3 =	sand.u32 $0x4000, s31;
	s1 =	sadd.s32 s1, s30  }
0xbb: {  	s0 =	sor.u32 s3, s0;
	s1 =	sshll.u32 s1, $0x11  }
0xbc: {  	s0 =	sor.u32 s1, s0  }
0xbd: {  	s0 =	sadd.s32 $0x8F2B, s0  }
0xbe: {  	[sflag:s0] =	ssyncadd.remote.s32 $0x1  }
0xbf: {  	_ =	sfence.sel $0xFFFF  }
0xc0: {  	[dreg:$0x0] =	wrdreg $0xFFFFFFFF;
	(pc) =	sbr.abs _section_cstart, $3  }
0xc1: {  	[dreg:$0x1] =	wrdreg $0xFFFFFFFF  }
0xc2: {  	_ =	task.clear_ibuf [dreg:s7], $0x2FFFF;
	_ =	strace $0x9FFFFFFF  }
0xc3: {  	(tm) =	ssettm $0x7FFFFFFF  }
tec
execute0_lowered:
.L_overlay_start_1:
0x0: {  	(tag) =	ssettag $0x1  }
0x1: {  	s7 =	rddreg [dreg:$0x0]  }
0x2: {  	s2 =	rddreg [dreg:$0x1]  }
0x3: {  	s3 =	rddreg [dreg:$0x2]  }
0x4: {  	s0 =	rddreg [dreg:$0x3];
	s1 =	stileid.u32  }
0x5: {  	s5 =	srdreg.scid;
	s4 =	simm.s32 $0x0;
	s14 =	simm.s32 $0x1400  }
0x6: {  	s15 =	simm.s32 $0x80;
	s16 =	simm.s32 $0x2800;
	s17 =	simm.s32 $0x6800  }
0x7: {  	s18 =	simm.s32 $0x1;
	s19 =	simm.s32 $0x2;
	s8 =	smul.u32 $0x14000, s1  }
0x8: {  	s20 =	sand.u32 $0x1, s5;
	[smem:$0x7FF] =	sst s4;
	s26 =	smul.u32 $0x50000, s1  }
0x9: {  	s5 =	sadd.s32 $0x84200, s7;
	s6 =	sadd.s32 $0x1A00, s7;
	s30 =	smul.u32 $0x28, s1  }
0xa: {  	s31 =	sshll.u32 s1, $0x6;
	s9 =	smul.u32 $0x140000, s20;
	_ =	strace $0x8000004A  }
0xb: {  	s11 =	ssub.s32 $0x2, s20;
	p0 =	seq.s32 s20, $0x0;
	s10 =	sshrl.u32 s8, $0x3  }
0xc: {  	s28 =	sshrl.u32 s11, $0x1;
	s29 =	sshrl.u32 s26, $0x2;
	s8 =	sadd.s32 s8, s9  }
0xd: {  	s10 =	sadd.s32 s10, s7;
	s11 =	ssub.s32 s11, s28;
	s8 =	sshrl.u32 s8, $0x3  }
0xe: {  	s12 =	sadd.s32 s8, s7;
	s7 =	sadd.s32 $0xC200, s10;
	s10 =	smul.u32 $0x78, s1  }
0xf: {  	s13 =	sadd.s32 s29, s3;
	s9 =	sadd.s32 $0x780, s30;
	s11 =	smax.u32 s11, $0x1  }
0x10: {  	s8 =	sor.u32 $0x1C03, s31;
	s9 =	smov.u32 @p0 s10;
	s10 =	sadd.s32 $0xAC200, s12  }
0x11: {  	s12 =	sshrl.u32 s13, $0x3;
	s13 =	simm.s32 $0x3;
	p0 =	sne.s32 s20, $0x0  }
.LBB2_1:
0x12: {  	[spmem:s12], [sflag:s8] =	dma.local [hbm:s7], $0x2800  }
0x13: {  	_ =	swait.ge [sflag:s13], $0x2800  }
0x14: {  	[sflag:s13] =	ssyncset.done $0x0  }
0x15: {  	[sflag:s13] =	ssyncadd.s32 $0xFFFFD800  }
0x16: {  	s20 =	simm.s32 $0x0;
	[bflag:$0x0] =	sbarrier.arrive $0xFFFF  }
.LBB2_2:
0x17: {  	s21 =	smul.u32 $0x28, s20;
	_ =	sdelay $0x1  }
0x18: {  	s21 =	sadd.s32 s9, s21  }
0x19: {  	s21 =	sshll.u32 s21, $0x4  }
0x1a: {  	s23 =	simm.s32 $0x0;
	s22 =	sadd.s32 s2, s21  }
0x1b: {  	[tilespmem:s23], [sflag:$0x3] =	stream.linear.gather [hbm4b:s22+s23], $0x1400, $0x38;
	[tilespmem:$0x1E800] =	vst v63  }
0x1c: {  	_ =	swait.ge [sflag:s13], $0x1400  }
0x1d: {  	[sflag:s13] =	ssyncset.done $0x0  }
0x1e: {  	s21 =	sadd.s32 s6, s21;
	[sflag:s13] =	ssyncadd.s32 $0xFFFFEC00  }
0x1f: {  	[tilespmem:s14], [sflag:$0x3] =	stream.linear.gather [hbm4b:s21+s23], $0x1400, $0x38;
	[tilespmem:$0x1E800] =	vst v63  }
0x20: {  	_ =	swait.ge [sflag:s13], $0x1400  }
0x21: {  	[sflag:s13] =	ssyncset.done $0x0  }
0x22: {  	s28 =	simm.s32 $0x0;
	[sflag:s13] =	ssyncadd.s32 $0xFFFFEC00  }
0x23: {  	[tilespmem:s16], [sflag:$0x1] =	stream.indirect.gather [hbm4b:s5+s15], $0x80, s28, s15, $0xb8;
	[tilespmem:$0x1E800] =	vst v63  }
0x24: {  	s29 =	simm.s32 $0x80  }
0x25: {  	[tilespmem:s17], [sflag:$0x2] =	stream.indirect.gather [hbm4b:s5+s15], $0x80, s29, s15, $0xb8;
	[tilespmem:$0x1E800] =	vst v63  }
0x26: {  	_ =	swait.ge [sflag:s18], $0x4000  }
0x27: {  	[sflag:s18] =	ssyncset.done $0x0  }
0x28: {  	s30 =	simm.s32 $0x1400;
	[sflag:s18] =	ssyncadd.s32 $0xFFFFC000  }
0x29: {  	[spmem:s3] =	stream.indirect.scatter.add.f32 [tilespmem:s16], [sflag:$0x3], $0x80, s30, s15, $0xb8;
	[tilespmem:$0x1E800] =	vst v63  }
0x2a: {  	_ =	swait.ge [sflag:s13], $0x4000  }
0x2b: {  	[sflag:s13] =	ssyncset.done $0x0  }
0x2c: {  	[sflag:s13] =	ssyncadd.s32 $0xFFFFC000  }
0x2d: {  	_ =	swait.ge [sflag:s19], $0x4000  }
0x2e: {  	[sflag:s19] =	ssyncset.done $0x0  }
0x2f: {  	s31 =	simm.s32 $0x1480;
	[sflag:s19] =	ssyncadd.s32 $0xFFFFC000  }
0x30: {  	[spmem:s3] =	stream.indirect.scatter.add.f32 [tilespmem:s17], [sflag:$0x3], $0x80, s31, s15, $0xb8;
	[tilespmem:$0x1E800] =	vst v63  }
0x31: {  	_ =	swait.ge [sflag:s13], $0x4000  }
0x32: {  	s22 =	simm.s32 $0x800;
	s21 =	simm.s32 $0x400;
	[sflag:s13] =	ssyncset.done $0x0  }
.LBB2_3:
0x33: {  	s23 =	sshra.s32 s21, $0x2  }
0x34: {  	[sflag:s13] =	ssyncadd.s32 $0xFFFFC000;
	s21 =	smov.u32 s22;
	s24 =	sadd.s32 $0x400, s22  }
0x35: {  	[tilespmem:s16], [sflag:$0x1] =	stream.indirect.gather [hbm4b:s5+s15], $0x80, s23, s15, $0xb8;
	[tilespmem:$0x1E800] =	vst v63  }
0x36: {  	p1 =	sne.s32 s22, $0x4C00;
	s22 =	sadd.s32 $0x80, s23  }
0x37: {  	[tilespmem:s17], [sflag:$0x2] =	stream.indirect.gather [hbm4b:s5+s15], $0x80, s22, s15, $0xb8;
	[tilespmem:$0x1E800] =	vst v63  }
0x38: {  	_ =	swait.ge [sflag:s18], $0x4000  }
0x39: {  	[sflag:s18] =	ssyncset.done $0x0  }
0x3a: {  	s22 =	sadd.s32 $0x1400, s23;
	[sflag:s18] =	ssyncadd.s32 $0xFFFFC000  }
0x3b: {  	[spmem:s3] =	stream.indirect.scatter.add.f32 [tilespmem:s16], [sflag:$0x3], $0x80, s22, s15, $0xb8;
	[tilespmem:$0x1E800] =	vst v63  }
0x3c: {  	_ =	swait.ge [sflag:s13], $0x4000  }
0x3d: {  	[sflag:s13] =	ssyncset.done $0x0  }
0x3e: {  	[sflag:s13] =	ssyncadd.s32 $0xFFFFC000  }
0x3f: {  	_ =	swait.ge [sflag:s19], $0x4000  }
.Ltmp0:
0x40: {  	[sflag:s19] =	ssyncset.done $0x0;
	(pc) =	sbr.rel @p1 .LBB2_3-.Ltmp0, $4  }
0x41: {  	s22 =	sadd.s32 $0x1480, s23;
	[sflag:s19] =	ssyncadd.s32 $0xFFFFC000  }
0x42: {  	[spmem:s3] =	stream.indirect.scatter.add.f32 [tilespmem:s17], [sflag:$0x3], $0x80, s22, s15, $0xb8;
	[tilespmem:$0x1E800] =	vst v63  }
0x43: {  	_ =	swait.ge [sflag:s13], $0x4000  }
0x44: {  	s22 =	smov.u32 s24;
	[sflag:s13] =	ssyncset.done $0x0  }
0x45: {  	s21 =	sshra.s32 s21, $0x2;
	[sflag:s13] =	ssyncadd.s32 $0xFFFFC000  }
0x46: {  	[tilespmem:s16], [sflag:$0x1] =	stream.indirect.gather [hbm4b:s5+s15], $0x80, s21, s15, $0xb8;
	[tilespmem:$0x1E800] =	vst v63  }
0x47: {  	s22 =	sadd.s32 $0x80, s21  }
0x48: {  	[tilespmem:s17], [sflag:$0x2] =	stream.indirect.gather [hbm4b:s5+s15], $0x80, s22, s15, $0xb8;
	[tilespmem:$0x1E800] =	vst v63  }
0x49: {  	_ =	swait.ge [sflag:s18], $0x4000  }
0x4a: {  	[sflag:s18] =	ssyncset.done $0x0  }
0x4b: {  	s31 =	sadd.s32 $0x1400, s21;
	[sflag:s18] =	ssyncadd.s32 $0xFFFFC000  }
0x4c: {  	[spmem:s3] =	stream.indirect.scatter.add.f32 [tilespmem:s16], [sflag:$0x3], $0x80, s31, s15, $0xb8;
	[tilespmem:$0x1E800] =	vst v63  }
0x4d: {  	_ =	swait.ge [sflag:s13], $0x4000  }
0x4e: {  	[sflag:s13] =	ssyncset.done $0x0  }
0x4f: {  	[sflag:s13] =	ssyncadd.s32 $0xFFFFC000  }
0x50: {  	p1 =	slt.u32 @!p0 s20, $0x2;
	_ =	swait.ge [sflag:s19], $0x4000  }
0x51: {  	p1 =	por p0, !p1;
	[sflag:s19] =	ssyncset.done $0x0  }
.Ltmp1:
0x52: {  	s21 =	sadd.s32 $0x1480, s21;
	[sflag:s19] =	ssyncadd.s32 $0xFFFFC000;
	(pc) =	sbr.rel @!p1 .LBB2_2-.Ltmp1, $4  }
0x53: {  	[spmem:s3] =	stream.indirect.scatter.add.f32 [tilespmem:s17], [sflag:$0x3], $0x80, s21, s15, $0xb8;
	[tilespmem:$0x1E800] =	vst v63  }
0x54: {  	_ =	swait.ge [sflag:s13], $0x4000  }
0x55: {  	[sflag:s13] =	ssyncset.done $0x0  }
0x56: {  	s20 =	sadd.s32 $0x1, s20;
	[sflag:s13] =	ssyncadd.s32 $0xFFFFC000  }
0x57: {  	s4 =	sadd.s32 $0x1, s4  }
0x58: {  	p1 =	sne.s32 s4, s11  }
.Ltmp2:
0x59: {  	[bflag:$0x0] =	sbarrier.arrive $0xFFFF;
	(pc) =	sbr.rel @p1 .LBB2_1-.Ltmp2, $4  }
0x5a: {  	[hbm:s10], [sflag:s8] =	dma.local [spmem:s12], $0x2800  }
0x5b: {  	_ =	swait.ge [sflag:s13], $0x2800  }
0x5c: {  	[sflag:s13] =	ssyncset.done $0x0  }
0x5d: {  	[sflag:s13] =	ssyncadd.s32 $0xFFFFD800  }
0x5e: {  	_ =	sfence.sel $0x180000  }
0x5f: {  	[bflag:$0x0] =	sbarrier.arrive $0xFFFF  }
0x60: {  	p0 =	sne.s32 s1, $0x0;
	_ =	strace $0x9000004A  }
0x61: {  	s0 =	sadd.s32 @!p0 $0x100000, s0;
	[bflag:$0x2] =	sbarrier.arrive $0xFFFF  }
0x62: {  	[sflag:s0] =	ssyncadd.tile.s32 @!p0 $0x1;
	_ =	shalt  }
.Lfunc_end2:
_tile_overlayer_lowered:
.L_overlay_start_2:
0x63: {  	(tag) =	ssettag $0x2  }
0x64: {  	s0 =	rddreg [dreg:$0x0];
	s2 =	stileid.u32  }
0x65: {  	s1 =	rddreg [dreg:$0x1];
	p0 =	sne.s32 s2, $0x0  }
0x66: {  	s3 =	rddreg [dreg:$0x2];
	[bflag:$0x3] =	sbarrier.arrive $0xFFFF;
	s2 =	simm.s32 @!p0 $0x1C03  }
0x67: {  	[timem:s3], [sflag:s2] =	dma.local @!p0 [hbm:s0], s1  }
0x68: {  	s0 =	simm.s32 @!p0 $0x3  }
0x69: {  	_ =	swait.ge @!p0 [sflag:s0], s1  }
0x6a: {  	s1 =	ssub.s32 @!p0 $0x0, s1;
	[sflag:s0] =	ssyncset.done @!p0 $0x0  }
0x6b: {  	[sflag:s0] =	ssyncadd.s32 @!p0 s1  }
0x6c: {  	[bflag:$0x3] =	sbarrier.arrive $0xFFFF  }
0x6d: {  	_ =	shalt  }

</sc_bundles>
